<compile_context>
chip_gen: v7x
topology: tpu7x:2x2x1
jax: 0.10.2.dev20260603
libtpu: 0.0.44.dev20260713+nightly
codegen_flags: <defaults>
</compile_context>

<pallas_src>
import functools

import jax
import jax.numpy as jnp
from jax import lax
from jax.experimental import pallas as pl
from jax.experimental.pallas import tpu as pltpu
from jax.experimental.pallas import tpu_sc as plsc

N = 10000
E = 320000
H = 128
C = 40
F32 = jnp.float32

NC, NS = 2, 16
NW = NC * NS
EC = 128
EP = 327680
EPAD = EP - E
EROWS = EP // EC
TPW = EROWS // NW
NP = 10112
NPS = NP // NS
NPD = 10240
DPS = NPD // NS

_mesh = plsc.VectorSubcoreMesh(core_axis_name="c", subcore_axis_name="s")



@functools.partial(
    pl.kernel, mesh=_mesh,
    out_type=jax.ShapeDtypeStruct((NC * NPD,), F32),
    scratch_types=[
        pltpu.VMEM((TPW, EC), jnp.int32),
        pltpu.VMEM((EC,), F32),
        pltpu.VMEM_SHARED((NPD,), F32),
    ],
)
def _sc_degree(dst_hbm, zeros_hbm, out_hbm, dst_v, ones_v, deg_sh):
    c = lax.axis_index("c")
    s = lax.axis_index("s")
    w = s * NC + c
    pltpu.sync_copy(zeros_hbm.at[pl.ds(s * DPS, DPS)],
                    deg_sh.at[pl.ds(s * DPS, DPS)])
    for i in range(EC // 16):
        ones_v[pl.ds(i * 16, 16)] = jnp.ones((16,), F32)
    if EC % 16:
        ones_v[pl.ds(EC - 16, 16)] = jnp.ones((16,), F32)
    pltpu.sync_copy(dst_hbm.at[w], dst_v)
    plsc.subcore_barrier()

    def body(j, carry):
        pltpu.sync_copy(ones_v, deg_sh.at[dst_v.at[j]], add=True)
        return carry

    lax.fori_loop(0, TPW, body, 0)
    plsc.subcore_barrier()
    pltpu.sync_copy(deg_sh.at[pl.ds(s * DPS, DPS)],
                    out_hbm.at[pl.ds(c * NPD + s * DPS, DPS)])


@functools.partial(
    pl.kernel, mesh=_mesh,
    out_type=jax.ShapeDtypeStruct((NC, NP, H), F32),
    scratch_types=[
        pltpu.VMEM((TPW, EC), jnp.int32),
        pltpu.VMEM((TPW, EC), jnp.int32),
        pltpu.VMEM((EC, H), F32),
        pltpu.VMEM_SHARED((NP, H), F32),
        pltpu.SemaphoreType.DMA,
    ],
)
def _sc_scatter(mp_hbm, src_hbm, dst_hbm, zeros_hbm, out_hbm,
                src_v, dst_v, gbuf, acc_sh, sem):
    c = lax.axis_index("c")
    s = lax.axis_index("s")
    w = s * NC + c
    pltpu.sync_copy(zeros_hbm.at[pl.ds(s * NPS, NPS)],
                    acc_sh.at[pl.ds(s * NPS, NPS)])
    pltpu.sync_copy(src_hbm.at[w], src_v)
    pltpu.sync_copy(dst_hbm.at[w], dst_v)
    plsc.subcore_barrier()

    def body(j, carry):
        pltpu.async_copy(mp_hbm.at[src_v.at[j]], gbuf, sem).wait()
        pltpu.sync_copy(gbuf, acc_sh.at[dst_v.at[j]], add=True)
        return carry

    lax.fori_loop(0, TPW, body, 0)
    plsc.subcore_barrier()
    pltpu.sync_copy(acc_sh.at[pl.ds(s * NPS, NPS)],
                    out_hbm.at[c, pl.ds(s * NPS, NPS)])



_GRID = 5
_BR = N // _GRID

def _row_spec(width):
    return pl.BlockSpec((_BR, width), lambda i: (i, 0))

def _full_spec(r, c):
    return pl.BlockSpec((r, c), lambda i: (0, 0))


def _tc_pre_body(x, w1, b1, w2, b2, wc, da, db, mp_o, dinv_o):
    h = jax.nn.relu(jnp.dot(x[...], w1[...], preferred_element_type=F32) + b1[...])
    h = jax.nn.relu(jnp.dot(h, w2[...], preferred_element_type=F32) + b2[...])
    dinv = lax.rsqrt(da[...] + db[...] + 1.0)
    dinv_o[...] = dinv
    mp_o[...] = jnp.dot(h, wc[...], preferred_element_type=F32) * dinv


def _tc_pre(x, w1, b1, w2, b2, wc, deg_a, deg_b):
    return pl.pallas_call(
        _tc_pre_body,
        grid=(_GRID,),
        in_specs=[_row_spec(H), _full_spec(H, H), _full_spec(1, H),
                  _full_spec(H, H), _full_spec(1, H), _full_spec(H, H),
                  _row_spec(1), _row_spec(1)],
        out_specs=[_row_spec(H), _row_spec(1)],
        out_shape=[jax.ShapeDtypeStruct((N, H), F32),
                   jax.ShapeDtypeStruct((N, 1), F32)],
    )(x, w1, b1, w2, b2, wc, deg_a, deg_b)


def _tc_mid_body(aa, ab, mp, dinv, cb, g, b, rm, rv, wc, o):
    t = dinv[...] * (aa[...] + ab[...] + mp[...]) + cb[...]
    t = g[...] * (t - rm[...]) * lax.rsqrt(rv[...] + 1e-5) + b[...]
    t = jax.nn.relu(t)
    o[...] = jnp.dot(t, wc[...], preferred_element_type=F32) * dinv[...]


def _tc_mid(acc_a, acc_b, mp, dinv, cb, g, b, rm, rv, wc):
    return pl.pallas_call(
        _tc_mid_body,
        grid=(_GRID,),
        in_specs=[_row_spec(H), _row_spec(H), _row_spec(H), _row_spec(1),
                  _full_spec(1, H), _full_spec(1, H), _full_spec(1, H),
                  _full_spec(1, H), _full_spec(1, H), _full_spec(H, H)],
        out_specs=_row_spec(H),
        out_shape=jax.ShapeDtypeStruct((N, H), F32),
    )(acc_a, acc_b, mp, dinv, cb, g, b, rm, rv, wc)


def _tc_post_body(aa, ab, mp, dinv, cb, w1, b1, w2, b2, o):
    t = dinv[...] * (aa[...] + ab[...] + mp[...]) + cb[...]
    t = jax.nn.relu(jnp.dot(t, w1[...], preferred_element_type=F32) + b1[...])
    o[...] = jnp.dot(t, w2[...], preferred_element_type=F32) + b2[...]


def _tc_post(acc_a, acc_b, mp, dinv, cb, w1, b1, w2, b2):
    return pl.pallas_call(
        _tc_post_body,
        grid=(_GRID,),
        in_specs=[_row_spec(H), _row_spec(H), _row_spec(H), _row_spec(1),
                  _full_spec(1, H), _full_spec(H, H), _full_spec(1, H),
                  _full_spec(H, C), _full_spec(1, C)],
        out_specs=_row_spec(C),
        out_shape=jax.ShapeDtypeStruct((N, C), F32),
    )(acc_a, acc_b, mp, dinv, cb, w1, b1, w2, b2)



def kernel(x, edge_index, y, train_mask, pre_W1, pre_b1, pre_W2, pre_b2,
           conv1_W, conv1_b, bn1_g, bn1_b, bn1_rm, bn1_rv,
           conv2_W, conv2_b, post_W1, post_b1, post_W2, post_b2):
    pad_src = (jnp.arange(EPAD, dtype=jnp.int32) * 131) % N
    pad_dst = N + (jnp.arange(EPAD, dtype=jnp.int32) % (NP - N))
    src2 = jnp.concatenate([edge_index[0], pad_src]).reshape(NW, TPW, EC)
    dst2 = jnp.concatenate([edge_index[1], pad_dst]).reshape(NW, TPW, EC)
    zeros2 = jnp.zeros((NP, H), F32)
    zeros1 = jnp.zeros((NPD,), F32)
    r1 = lambda v: v.reshape(1, -1)

    degp = _sc_degree(dst2, zeros1).reshape(NC, NPD)
    deg_a = degp[0, :N].reshape(N, 1)
    deg_b = degp[1, :N].reshape(N, 1)
    m1p, dinv = _tc_pre(x, pre_W1, r1(pre_b1), pre_W2, r1(pre_b2), conv1_W,
                        deg_a, deg_b)

    acc1 = _sc_scatter(m1p, src2, dst2, zeros2)
    m2p = _tc_mid(acc1[0], acc1[1], m1p, dinv, r1(conv1_b), r1(bn1_g),
                  r1(bn1_b), r1(bn1_rm), r1(bn1_rv), conv2_W)

    acc2 = _sc_scatter(m2p, src2, dst2, zeros2)
    pred = _tc_post(acc2[0], acc2[1], m2p, dinv, r1(conv2_b),
                    post_W1, r1(post_b1), post_W2, r1(post_b2))

    return pred, y

# --- scband reference (transcript-rebuilt; emitter-appended) ---
"""Pipeline reference for scband-custom-node-gcn-3908420239972 (READ-ONLY COPY).

The authoritative reference and input builder live on the scoring server;
editing this copy changes nothing except your own understanding.
"""

import jax, jax.numpy as jnp
import numpy as np

N, E, D_IN, H, C = 10000, 320000, 128, 128, 40


def setup_inputs(seed: int = 0):
    key = jax.random.key(seed)
    k = lambda i: jax.random.fold_in(key, i)
    inp = {}
    inp["x"] = jax.random.normal(k(0), (N, D_IN), jnp.float32)
    inp["edge_index"] = jax.random.randint(k(1), (2, E), 0, N)
    inp["y"] = jax.random.randint(k(2), (N,), 0, C)
    inp["train_mask"] = jnp.ones((N,), dtype=bool)

    def w(i, shape, fan):
        return jax.random.normal(k(i), shape, jnp.float32) * (1.0 / np.sqrt(fan))

    inp["pre_W1"] = w(3, (D_IN, H), D_IN); inp["pre_b1"] = jnp.zeros((H,), jnp.float32)
    inp["pre_W2"] = w(4, (H, H), H); inp["pre_b2"] = jnp.zeros((H,), jnp.float32)
    inp["conv1_W"] = w(5, (H, H), H); inp["conv1_b"] = jnp.zeros((H,), jnp.float32)
    inp["bn1_g"] = jnp.ones((H,), jnp.float32); inp["bn1_b"] = jnp.zeros((H,), jnp.float32)
    inp["bn1_rm"] = jnp.zeros((H,), jnp.float32); inp["bn1_rv"] = jnp.ones((H,), jnp.float32)
    inp["conv2_W"] = w(6, (H, H), H); inp["conv2_b"] = jnp.zeros((H,), jnp.float32)
    inp["post_W1"] = w(7, (H, H), H); inp["post_b1"] = jnp.zeros((H,), jnp.float32)
    inp["post_W2"] = w(8, (H, C), H); inp["post_b2"] = jnp.zeros((C,), jnp.float32)
    return inp


def _gcn_conv(h, W, b, src, dst, n):
    # GCNConv with self-loops and symmetric normalization (eval mode, cached norm recomputed)
    loop = jnp.arange(n)
    s = jnp.concatenate([src, loop])
    d = jnp.concatenate([dst, loop])
    deg = jnp.zeros((n,), h.dtype).at[d].add(1.0)
    dinv = jnp.where(deg > 0, 1.0 / jnp.sqrt(deg), 0.0)
    norm = dinv[s] * dinv[d]
    m = h @ W
    msg = m[s] * norm[:, None]
    out = jnp.zeros((n, W.shape[1]), h.dtype).at[d].add(msg)
    return out + b


def reference(x, edge_index, y, train_mask, pre_W1, pre_b1, pre_W2, pre_b2,
              conv1_W, conv1_b, bn1_g, bn1_b, bn1_rm, bn1_rv,
              conv2_W, conv2_b, post_W1, post_b1, post_W2, post_b2):
    src, dst = edge_index[0], edge_index[1]
    n = x.shape[0]
    # pre-processing 2-layer MLP (dropout=0 / eval -> identity)
    h = jax.nn.relu(x @ pre_W1 + pre_b1)
    h = jax.nn.relu(h @ pre_W2 + pre_b2)
    # conv 1 + batchnorm (eval: running stats) + relu
    h = _gcn_conv(h, conv1_W, conv1_b, src, dst, n)
    h = bn1_g * (h - bn1_rm) / jnp.sqrt(bn1_rv + 1e-5) + bn1_b
    h = jax.nn.relu(h)
    # final conv
    h = _gcn_conv(h, conv2_W, conv2_b, src, dst, n)
    # post-processing 2-layer MLP
    h = jax.nn.relu(h @ post_W1 + post_b1)
    h = h @ post_W2 + post_b2
    # _apply_index: mask-select pred and label
    sel = jnp.nonzero(train_mask, size=train_mask.shape[0])[0]
    pred = h[sel]
    label = y[sel]
    return (pred, label)

if __name__ == "__main__":
    import jax
    _d = setup_inputs()
    print(jax.jit(kernel)(*tuple(_d.values())))

</pallas_src>

<mosaic_0001>
#map = affine_map<(d0, d1) -> (0, 0, 0)>
#map1 = affine_map<(d0, d1) -> (0)>
module attributes {stable_mosaic.version = 14 : i64} {
  func.func @_sc_degree(%arg0: i32, %arg1: i32, %arg2: memref<32x80x128xi32, #tpu.memory_space<hbm>>, %arg3: memref<10240xf32, #tpu.memory_space<hbm>>, %arg4: memref<20480xf32, #tpu.memory_space<hbm>>, %arg5: memref<80x128xi32, #tpu.memory_space<vmem>>, %arg6: memref<128xf32, #tpu.memory_space<vmem>>, %arg7: memref<10240xf32, #tpu.memory_space<vmem_shared>>) attributes {dimension_semantics = [#tpu.dimension_semantics<core_parallel>, #tpu.dimension_semantics<subcore_parallel>], iteration_bounds = array<i64: 2, 16>, scalar_prefetch = 0 : i64, scratch_operands = 3 : i64, tpu.core_type = #tpu.core_type<sc_vector_subcore>, window_params = [{transform_indices = #map}, {transform_indices = #map1}, {transform_indices = #map1}]} {
    %mul3A = arith.constant 2 : i32
    %mul3A_0 = arith.muli %arg1, %mul3A : i32
    %add3A = arith.addi %mul3A_0, %arg0 : i32
    %mul3A_1 = arith.constant 640 : i32
    %mul3A_2 = arith.muli %arg1, %mul3A_1 : i32
    %mul3A_3 = arith.constant 640 : i32
    %mul3A_4 = arith.muli %arg1, %mul3A_3 : i32
    "tpu.region"() ({
      %run_scoped3A = tpu.sem_alloc : memref<!tpu.dma_semaphore, #tpu.memory_space<semaphore_mem>>
      %dma_start3A = tpu.memref_slice %arg7[%mul3A_4] : memref<10240xf32, #tpu.memory_space<vmem_shared>> -> memref<640xf32, #tpu.memory_space<vmem_shared>>
      %dma_start3A_64 = tpu.memref_slice %arg3[%mul3A_2] : memref<10240xf32, #tpu.memory_space<hbm>> -> memref<640xf32, #tpu.memory_space<hbm>>
      tpu.enqueue_dma source(%dma_start3A_64 : memref<640xf32, #tpu.memory_space<hbm>>) target(%dma_start3A : memref<640xf32, #tpu.memory_space<vmem_shared>>) target_semaphore(%run_scoped3A : memref<!tpu.dma_semaphore, #tpu.memory_space<semaphore_mem>>)
      %dma_wait3A = tpu.memref_slice %arg7[%mul3A_4] : memref<10240xf32, #tpu.memory_space<vmem_shared>> -> memref<640xf32, #tpu.memory_space<vmem_shared>>
      %dma_wait3A_65 = tpu.memref_slice %arg3[%mul3A_2] : memref<10240xf32, #tpu.memory_space<hbm>> -> memref<640xf32, #tpu.memory_space<hbm>>
      tpu.wait_dma2 semaphore(%run_scoped3A : memref<!tpu.dma_semaphore, #tpu.memory_space<semaphore_mem>>) src(%dma_wait3A_65 : memref<640xf32, #tpu.memory_space<hbm>>) dst(%dma_wait3A : memref<640xf32, #tpu.memory_space<vmem_shared>>)
      tpu.yield
    }) : () -> ()
    %broadcast_in_dim3A = arith.constant 1.000000e+00 : f32
    %broadcast_in_dim3A_5 = vector.broadcast %broadcast_in_dim3A : f32 to vector<16xf32>
    %swap3A = arith.constant 0 : index
    %swap3A_6 = tpu.vector_load %arg6[%swap3A] {strides = array<i32>} : memref<128xf32, #tpu.memory_space<vmem>>, vector<16xf32>,
    %swap3A_7 = vector.shape_cast %swap3A_6 : vector<16xf32> to vector<16xf32>
    %swap3A_8 = vector.shape_cast %broadcast_in_dim3A_5 : vector<16xf32> to vector<16xf32>
    tpu.vector_store %arg6[%swap3A], %swap3A_8 {strides = array<i32>} : memref<128xf32, #tpu.memory_space<vmem>>, vector<16xf32>,
    %broadcast_in_dim3A_9 = arith.constant 1.000000e+00 : f32
    %broadcast_in_dim3A_10 = vector.broadcast %broadcast_in_dim3A_9 : f32 to vector<16xf32>
    %swap3A_11 = arith.constant 16 : index
    %swap3A_12 = tpu.vector_load %arg6[%swap3A_11] {strides = array<i32>} : memref<128xf32, #tpu.memory_space<vmem>>, vector<16xf32>,
    %swap3A_13 = vector.shape_cast %swap3A_12 : vector<16xf32> to vector<16xf32>
    %swap3A_14 = vector.shape_cast %broadcast_in_dim3A_10 : vector<16xf32> to vector<16xf32>
    tpu.vector_store %arg6[%swap3A_11], %swap3A_14 {strides = array<i32>} : memref<128xf32, #tpu.memory_space<vmem>>, vector<16xf32>,
    %broadcast_in_dim3A_15 = arith.constant 1.000000e+00 : f32
    %broadcast_in_dim3A_16 = vector.broadcast %broadcast_in_dim3A_15 : f32 to vector<16xf32>
    %swap3A_17 = arith.constant 32 : index
    %swap3A_18 = tpu.vector_load %arg6[%swap3A_17] {strides = array<i32>} : memref<128xf32, #tpu.memory_space<vmem>>, vector<16xf32>,
    %swap3A_19 = vector.shape_cast %swap3A_18 : vector<16xf32> to vector<16xf32>
    %swap3A_20 = vector.shape_cast %broadcast_in_dim3A_16 : vector<16xf32> to vector<16xf32>
    tpu.vector_store %arg6[%swap3A_17], %swap3A_20 {strides = array<i32>} : memref<128xf32, #tpu.memory_space<vmem>>, vector<16xf32>,
    %broadcast_in_dim3A_21 = arith.constant 1.000000e+00 : f32
    %broadcast_in_dim3A_22 = vector.broadcast %broadcast_in_dim3A_21 : f32 to vector<16xf32>
    %swap3A_23 = arith.constant 48 : index
    %swap3A_24 = tpu.vector_load %arg6[%swap3A_23] {strides = array<i32>} : memref<128xf32, #tpu.memory_space<vmem>>, vector<16xf32>,
    %swap3A_25 = vector.shape_cast %swap3A_24 : vector<16xf32> to vector<16xf32>
    %swap3A_26 = vector.shape_cast %broadcast_in_dim3A_22 : vector<16xf32> to vector<16xf32>
    tpu.vector_store %arg6[%swap3A_23], %swap3A_26 {strides = array<i32>} : memref<128xf32, #tpu.memory_space<vmem>>, vector<16xf32>,
    %broadcast_in_dim3A_27 = arith.constant 1.000000e+00 : f32
    %broadcast_in_dim3A_28 = vector.broadcast %broadcast_in_dim3A_27 : f32 to vector<16xf32>
    %swap3A_29 = arith.constant 64 : index
    %swap3A_30 = tpu.vector_load %arg6[%swap3A_29] {strides = array<i32>} : memref<128xf32, #tpu.memory_space<vmem>>, vector<16xf32>,
    %swap3A_31 = vector.shape_cast %swap3A_30 : vector<16xf32> to vector<16xf32>
    %swap3A_32 = vector.shape_cast %broadcast_in_dim3A_28 : vector<16xf32> to vector<16xf32>
    tpu.vector_store %arg6[%swap3A_29], %swap3A_32 {strides = array<i32>} : memref<128xf32, #tpu.memory_space<vmem>>, vector<16xf32>,
    %broadcast_in_dim3A_33 = arith.constant 1.000000e+00 : f32
    %broadcast_in_dim3A_34 = vector.broadcast %broadcast_in_dim3A_33 : f32 to vector<16xf32>
    %swap3A_35 = arith.constant 80 : index
    %swap3A_36 = tpu.vector_load %arg6[%swap3A_35] {strides = array<i32>} : memref<128xf32, #tpu.memory_space<vmem>>, vector<16xf32>,
    %swap3A_37 = vector.shape_cast %swap3A_36 : vector<16xf32> to vector<16xf32>
    %swap3A_38 = vector.shape_cast %broadcast_in_dim3A_34 : vector<16xf32> to vector<16xf32>
    tpu.vector_store %arg6[%swap3A_35], %swap3A_38 {strides = array<i32>} : memref<128xf32, #tpu.memory_space<vmem>>, vector<16xf32>,
    %broadcast_in_dim3A_39 = arith.constant 1.000000e+00 : f32
    %broadcast_in_dim3A_40 = vector.broadcast %broadcast_in_dim3A_39 : f32 to vector<16xf32>
    %swap3A_41 = arith.constant 96 : index
    %swap3A_42 = tpu.vector_load %arg6[%swap3A_41] {strides = array<i32>} : memref<128xf32, #tpu.memory_space<vmem>>, vector<16xf32>,
    %swap3A_43 = vector.shape_cast %swap3A_42 : vector<16xf32> to vector<16xf32>
    %swap3A_44 = vector.shape_cast %broadcast_in_dim3A_40 : vector<16xf32> to vector<16xf32>
    tpu.vector_store %arg6[%swap3A_41], %swap3A_44 {strides = array<i32>} : memref<128xf32, #tpu.memory_space<vmem>>, vector<16xf32>,
    %broadcast_in_dim3A_45 = arith.constant 1.000000e+00 : f32
    %broadcast_in_dim3A_46 = vector.broadcast %broadcast_in_dim3A_45 : f32 to vector<16xf32>
    %swap3A_47 = arith.constant 112 : index
    %swap3A_48 = tpu.vector_load %arg6[%swap3A_47] {strides = array<i32>} : memref<128xf32, #tpu.memory_space<vmem>>, vector<16xf32>,
    %swap3A_49 = vector.shape_cast %swap3A_48 : vector<16xf32> to vector<16xf32>
    %swap3A_50 = vector.shape_cast %broadcast_in_dim3A_46 : vector<16xf32> to vector<16xf32>
    tpu.vector_store %arg6[%swap3A_47], %swap3A_50 {strides = array<i32>} : memref<128xf32, #tpu.memory_space<vmem>>, vector<16xf32>,
    "tpu.region"() ({
      %run_scoped3A = tpu.sem_alloc : memref<!tpu.dma_semaphore, #tpu.memory_space<semaphore_mem>>
      %dma_start3A = arith.constant 0 : i32
      %dma_start3A_64 = arith.constant 0 : i32
      %dma_start3A_65 = tpu.memref_slice %arg2[%add3A, %dma_start3A, %dma_start3A_64] : memref<32x80x128xi32, #tpu.memory_space<hbm>> -> memref<1x80x128xi32, #tpu.memory_space<hbm>>
      %dma_start3A_66 = tpu.memref_squeeze %dma_start3A_65 : memref<1x80x128xi32, #tpu.memory_space<hbm>> -> memref<80x128xi32, #tpu.memory_space<hbm>>
      %dma_start3A_67 = arith.constant 0 : i32
      %dma_start3A_68 = arith.constant 0 : i32
      %dma_start3A_69 = tpu.memref_slice %arg2[%add3A, %dma_start3A_67, %dma_start3A_68] : memref<32x80x128xi32, #tpu.memory_space<hbm>> -> memref<1x80x128xi32, #tpu.memory_space<hbm>>
      %dma_start3A_70 = tpu.memref_squeeze %dma_start3A_69 : memref<1x80x128xi32, #tpu.memory_space<hbm>> -> memref<80x128xi32, #tpu.memory_space<hbm>>
      tpu.enqueue_dma source(%dma_start3A_70 : memref<80x128xi32, #tpu.memory_space<hbm>>) target(%arg5 : memref<80x128xi32, #tpu.memory_space<vmem>>) target_semaphore(%run_scoped3A : memref<!tpu.dma_semaphore, #tpu.memory_space<semaphore_mem>>)
      %dma_wait3A = arith.constant 0 : i32
      %dma_wait3A_71 = arith.constant 0 : i32
      %dma_wait3A_72 = tpu.memref_slice %arg2[%add3A, %dma_wait3A, %dma_wait3A_71] : memref<32x80x128xi32, #tpu.memory_space<hbm>> -> memref<1x80x128xi32, #tpu.memory_space<hbm>>
      %dma_wait3A_73 = tpu.memref_squeeze %dma_wait3A_72 : memref<1x80x128xi32, #tpu.memory_space<hbm>> -> memref<80x128xi32, #tpu.memory_space<hbm>>
      %dma_wait3A_74 = arith.constant 0 : i32
      %dma_wait3A_75 = arith.constant 0 : i32
      %dma_wait3A_76 = tpu.memref_slice %arg2[%add3A, %dma_wait3A_74, %dma_wait3A_75] : memref<32x80x128xi32, #tpu.memory_space<hbm>> -> memref<1x80x128xi32, #tpu.memory_space<hbm>>
      %dma_wait3A_77 = tpu.memref_squeeze %dma_wait3A_76 : memref<1x80x128xi32, #tpu.memory_space<hbm>> -> memref<80x128xi32, #tpu.memory_space<hbm>>
      tpu.wait_dma2 semaphore(%run_scoped3A : memref<!tpu.dma_semaphore, #tpu.memory_space<semaphore_mem>>) src(%dma_wait3A_77 : memref<80x128xi32, #tpu.memory_space<hbm>>) dst(%arg5 : memref<80x128xi32, #tpu.memory_space<vmem>>)
      tpu.yield
    }) : () -> ()
    %barrier3A = arith.constant 0 : index
    tpu.barrier barrier_id(%barrier3A)
    %scan3A = arith.constant 0 : i32
    %scan3A_51 = arith.constant 0 : i32
    %scan3A_52 = arith.constant 80 : i32
    %scan3A_53 = arith.addi %scan3A_51, %scan3A_52 : i32
    %scan3A_54 = arith.constant 1 : i32
    scf.for %scan3A_64 = %scan3A_51 to %scan3A_53 step %scan3A_54  : i32 {
      "tpu.region"() ({
        %run_scoped3A = tpu.sem_alloc : memref<!tpu.dma_semaphore, #tpu.memory_space<semaphore_mem>>
        %dma_start3A = arith.constant 0 : i32
        %dma_start3A_65 = tpu.memref_slice %arg5[%scan3A_64, %dma_start3A] : memref<80x128xi32, #tpu.memory_space<vmem>> -> memref<1x128xi32, #tpu.memory_space<vmem>>
        %dma_start3A_66 = tpu.memref_squeeze %dma_start3A_65 : memref<1x128xi32, #tpu.memory_space<vmem>> -> memref<128xi32, #tpu.memory_space<vmem>>
        %dma_start3A_67 = arith.constant 0 : i32
        %dma_start3A_68 = tpu.memref_slice %arg7[%dma_start3A_67] : memref<10240xf32, #tpu.memory_space<vmem_shared>> -> memref<10240xf32, #tpu.memory_space<vmem_shared>>
        tpu.enqueue_indirect_dma source(%arg6 : memref<128xf32, #tpu.memory_space<vmem>>) target(%dma_start3A_68 : memref<10240xf32, #tpu.memory_space<vmem_shared>>) offsets(%dma_start3A_66 : memref<128xi32, #tpu.memory_space<vmem>>) semaphore(%run_scoped3A : memref<!tpu.dma_semaphore, #tpu.memory_space<semaphore_mem>>) {add = true}
        %dma_wait3A = arith.constant 0 : i32
        %dma_wait3A_69 = tpu.memref_slice %arg5[%scan3A_64, %dma_wait3A] : memref<80x128xi32, #tpu.memory_space<vmem>> -> memref<1x128xi32, #tpu.memory_space<vmem>>
        %dma_wait3A_70 = tpu.memref_squeeze %dma_wait3A_69 : memref<1x128xi32, #tpu.memory_space<vmem>> -> memref<128xi32, #tpu.memory_space<vmem>>
        %dma_wait3A_71 = arith.constant 0 : i32
        %dma_wait3A_72 = tpu.memref_slice %arg7[%dma_wait3A_71] : memref<10240xf32, #tpu.memory_space<vmem_shared>> -> memref<10240xf32, #tpu.memory_space<vmem_shared>>
        tpu.wait_indirect_dma semaphore(%run_scoped3A : memref<!tpu.dma_semaphore, #tpu.memory_space<semaphore_mem>>) src(%arg6 : memref<128xf32, #tpu.memory_space<vmem>>) dst(%dma_wait3A_72 : memref<10240xf32, #tpu.memory_space<vmem_shared>>)
        tpu.yield
      }) : () -> ()
    }
    %scan3A_55 = arith.constant 80 : i32
    %barrier3A_56 = arith.constant 0 : index
    tpu.barrier barrier_id(%barrier3A_56)
    %mul3A_57 = arith.constant 640 : i32
    %mul3A_58 = arith.muli %arg1, %mul3A_57 : i32
    %mul3A_59 = arith.constant 10240 : i32
    %mul3A_60 = arith.muli %arg0, %mul3A_59 : i32
    %mul3A_61 = arith.constant 640 : i32
    %mul3A_62 = arith.muli %arg1, %mul3A_61 : i32
    %add3A_63 = arith.addi %mul3A_60, %mul3A_62 : i32
    "tpu.region"() ({
      %run_scoped3A = tpu.sem_alloc : memref<!tpu.dma_semaphore, #tpu.memory_space<semaphore_mem>>
      %dma_start3A = tpu.memref_slice %arg4[%add3A_63] : memref<20480xf32, #tpu.memory_space<hbm>> -> memref<640xf32, #tpu.memory_space<hbm>>
      %dma_start3A_64 = tpu.memref_slice %arg7[%mul3A_58] : memref<10240xf32, #tpu.memory_space<vmem_shared>> -> memref<640xf32, #tpu.memory_space<vmem_shared>>
      tpu.enqueue_dma source(%dma_start3A_64 : memref<640xf32, #tpu.memory_space<vmem_shared>>) target(%dma_start3A : memref<640xf32, #tpu.memory_space<hbm>>) target_semaphore(%run_scoped3A : memref<!tpu.dma_semaphore, #tpu.memory_space<semaphore_mem>>)
      %dma_wait3A = tpu.memref_slice %arg4[%add3A_63] : memref<20480xf32, #tpu.memory_space<hbm>> -> memref<640xf32, #tpu.memory_space<hbm>>
      %dma_wait3A_65 = tpu.memref_slice %arg7[%mul3A_58] : memref<10240xf32, #tpu.memory_space<vmem_shared>> -> memref<640xf32, #tpu.memory_space<vmem_shared>>
      tpu.wait_dma2 semaphore(%run_scoped3A : memref<!tpu.dma_semaphore, #tpu.memory_space<semaphore_mem>>) src(%dma_wait3A_65 : memref<640xf32, #tpu.memory_space<vmem_shared>>) dst(%dma_wait3A : memref<640xf32, #tpu.memory_space<hbm>>)
      tpu.yield
    }) : () -> ()
    return
  }
}

#map = affine_map<(d0, d1) -> (0, 0)>
#map1 = affine_map<(d0, d1) -> (0, 0, 0)>
module attributes {stable_mosaic.version = 14 : i64} {
  func.func @_sc_scatter(%arg0: i32, %arg1: i32, %arg2: memref<10000x128xf32, #tpu.memory_space<hbm>>, %arg3: memref<32x80x128xi32, #tpu.memory_space<hbm>>, %arg4: memref<32x80x128xi32, #tpu.memory_space<hbm>>, %arg5: memref<10112x128xf32, #tpu.memory_space<hbm>>, %arg6: memref<2x10112x128xf32, #tpu.memory_space<hbm>>, %arg7: memref<80x128xi32, #tpu.memory_space<vmem>>, %arg8: memref<80x128xi32, #tpu.memory_space<vmem>>, %arg9: memref<128x128xf32, #tpu.memory_space<vmem>>, %arg10: memref<10112x128xf32, #tpu.memory_space<vmem_shared>>, %arg11: memref<!tpu.dma_semaphore, #tpu.memory_space<semaphore_mem>>) attributes {dimension_semantics = [#tpu.dimension_semantics<core_parallel>, #tpu.dimension_semantics<subcore_parallel>], iteration_bounds = array<i64: 2, 16>, scalar_prefetch = 0 : i64, scratch_operands = 5 : i64, tpu.core_type = #tpu.core_type<sc_vector_subcore>, window_params = [{transform_indices = #map}, {transform_indices = #map1}, {transform_indices = #map1}, {transform_indices = #map}, {transform_indices = #map1}]} {
    %mul3A = arith.constant 2 : i32
    %mul3A_0 = arith.muli %arg1, %mul3A : i32
    %add3A = arith.addi %mul3A_0, %arg0 : i32
    %mul3A_1 = arith.constant 632 : i32
    %mul3A_2 = arith.muli %arg1, %mul3A_1 : i32
    %mul3A_3 = arith.constant 632 : i32
    %mul3A_4 = arith.muli %arg1, %mul3A_3 : i32
    "tpu.region"() ({
      %run_scoped3A = tpu.sem_alloc : memref<!tpu.dma_semaphore, #tpu.memory_space<semaphore_mem>>
      %dma_start3A = arith.constant 0 : i32
      %dma_start3A_15 = tpu.memref_slice %arg10[%mul3A_4, %dma_start3A] : memref<10112x128xf32, #tpu.memory_space<vmem_shared>> -> memref<632x128xf32, #tpu.memory_space<vmem_shared>>
      %dma_start3A_16 = arith.constant 0 : i32
      %dma_start3A_17 = tpu.memref_slice %arg5[%mul3A_2, %dma_start3A_16] : memref<10112x128xf32, #tpu.memory_space<hbm>> -> memref<632x128xf32, #tpu.memory_space<hbm>>
      tpu.enqueue_dma source(%dma_start3A_17 : memref<632x128xf32, #tpu.memory_space<hbm>>) target(%dma_start3A_15 : memref<632x128xf32, #tpu.memory_space<vmem_shared>>) target_semaphore(%run_scoped3A : memref<!tpu.dma_semaphore, #tpu.memory_space<semaphore_mem>>)
      %dma_wait3A = arith.constant 0 : i32
      %dma_wait3A_18 = tpu.memref_slice %arg10[%mul3A_4, %dma_wait3A] : memref<10112x128xf32, #tpu.memory_space<vmem_shared>> -> memref<632x128xf32, #tpu.memory_space<vmem_shared>>
      %dma_wait3A_19 = arith.constant 0 : i32
      %dma_wait3A_20 = tpu.memref_slice %arg5[%mul3A_2, %dma_wait3A_19] : memref<10112x128xf32, #tpu.memory_space<hbm>> -> memref<632x128xf32, #tpu.memory_space<hbm>>
      tpu.wait_dma2 semaphore(%run_scoped3A : memref<!tpu.dma_semaphore, #tpu.memory_space<semaphore_mem>>) src(%dma_wait3A_20 : memref<632x128xf32, #tpu.memory_space<hbm>>) dst(%dma_wait3A_18 : memref<632x128xf32, #tpu.memory_space<vmem_shared>>)
      tpu.yield
    }) : () -> ()
    "tpu.region"() ({
      %run_scoped3A = tpu.sem_alloc : memref<!tpu.dma_semaphore, #tpu.memory_space<semaphore_mem>>
      %dma_start3A = arith.constant 0 : i32
      %dma_start3A_15 = arith.constant 0 : i32
      %dma_start3A_16 = tpu.memref_slice %arg3[%add3A, %dma_start3A, %dma_start3A_15] : memref<32x80x128xi32, #tpu.memory_space<hbm>> -> memref<1x80x128xi32, #tpu.memory_space<hbm>>
      %dma_start3A_17 = tpu.memref_squeeze %dma_start3A_16 : memref<1x80x128xi32, #tpu.memory_space<hbm>> -> memref<80x128xi32, #tpu.memory_space<hbm>>
      %dma_start3A_18 = arith.constant 0 : i32
      %dma_start3A_19 = arith.constant 0 : i32
      %dma_start3A_20 = tpu.memref_slice %arg3[%add3A, %dma_start3A_18, %dma_start3A_19] : memref<32x80x128xi32, #tpu.memory_space<hbm>> -> memref<1x80x128xi32, #tpu.memory_space<hbm>>
      %dma_start3A_21 = tpu.memref_squeeze %dma_start3A_20 : memref<1x80x128xi32, #tpu.memory_space<hbm>> -> memref<80x128xi32, #tpu.memory_space<hbm>>
      tpu.enqueue_dma source(%dma_start3A_21 : memref<80x128xi32, #tpu.memory_space<hbm>>) target(%arg7 : memref<80x128xi32, #tpu.memory_space<vmem>>) target_semaphore(%run_scoped3A : memref<!tpu.dma_semaphore, #tpu.memory_space<semaphore_mem>>)
      %dma_wait3A = arith.constant 0 : i32
      %dma_wait3A_22 = arith.constant 0 : i32
      %dma_wait3A_23 = tpu.memref_slice %arg3[%add3A, %dma_wait3A, %dma_wait3A_22] : memref<32x80x128xi32, #tpu.memory_space<hbm>> -> memref<1x80x128xi32, #tpu.memory_space<hbm>>
      %dma_wait3A_24 = tpu.memref_squeeze %dma_wait3A_23 : memref<1x80x128xi32, #tpu.memory_space<hbm>> -> memref<80x128xi32, #tpu.memory_space<hbm>>
      %dma_wait3A_25 = arith.constant 0 : i32
      %dma_wait3A_26 = arith.constant 0 : i32
      %dma_wait3A_27 = tpu.memref_slice %arg3[%add3A, %dma_wait3A_25, %dma_wait3A_26] : memref<32x80x128xi32, #tpu.memory_space<hbm>> -> memref<1x80x128xi32, #tpu.memory_space<hbm>>
      %dma_wait3A_28 = tpu.memref_squeeze %dma_wait3A_27 : memref<1x80x128xi32, #tpu.memory_space<hbm>> -> memref<80x128xi32, #tpu.memory_space<hbm>>
      tpu.wait_dma2 semaphore(%run_scoped3A : memref<!tpu.dma_semaphore, #tpu.memory_space<semaphore_mem>>) src(%dma_wait3A_28 : memref<80x128xi32, #tpu.memory_space<hbm>>) dst(%arg7 : memref<80x128xi32, #tpu.memory_space<vmem>>)
      tpu.yield
    }) : () -> ()
    "tpu.region"() ({
      %run_scoped3A = tpu.sem_alloc : memref<!tpu.dma_semaphore, #tpu.memory_space<semaphore_mem>>
      %dma_start3A = arith.constant 0 : i32
      %dma_start3A_15 = arith.constant 0 : i32
      %dma_start3A_16 = tpu.memref_slice %arg4[%add3A, %dma_start3A, %dma_start3A_15] : memref<32x80x128xi32, #tpu.memory_space<hbm>> -> memref<1x80x128xi32, #tpu.memory_space<hbm>>
      %dma_start3A_17 = tpu.memref_squeeze %dma_start3A_16 : memref<1x80x128xi32, #tpu.memory_space<hbm>> -> memref<80x128xi32, #tpu.memory_space<hbm>>
      %dma_start3A_18 = arith.constant 0 : i32
      %dma_start3A_19 = arith.constant 0 : i32
      %dma_start3A_20 = tpu.memref_slice %arg4[%add3A, %dma_start3A_18, %dma_start3A_19] : memref<32x80x128xi32, #tpu.memory_space<hbm>> -> memref<1x80x128xi32, #tpu.memory_space<hbm>>
      %dma_start3A_21 = tpu.memref_squeeze %dma_start3A_20 : memref<1x80x128xi32, #tpu.memory_space<hbm>> -> memref<80x128xi32, #tpu.memory_space<hbm>>
      tpu.enqueue_dma source(%dma_start3A_21 : memref<80x128xi32, #tpu.memory_space<hbm>>) target(%arg8 : memref<80x128xi32, #tpu.memory_space<vmem>>) target_semaphore(%run_scoped3A : memref<!tpu.dma_semaphore, #tpu.memory_space<semaphore_mem>>)
      %dma_wait3A = arith.constant 0 : i32
      %dma_wait3A_22 = arith.constant 0 : i32
      %dma_wait3A_23 = tpu.memref_slice %arg4[%add3A, %dma_wait3A, %dma_wait3A_22] : memref<32x80x128xi32, #tpu.memory_space<hbm>> -> memref<1x80x128xi32, #tpu.memory_space<hbm>>
      %dma_wait3A_24 = tpu.memref_squeeze %dma_wait3A_23 : memref<1x80x128xi32, #tpu.memory_space<hbm>> -> memref<80x128xi32, #tpu.memory_space<hbm>>
      %dma_wait3A_25 = arith.constant 0 : i32
      %dma_wait3A_26 = arith.constant 0 : i32
      %dma_wait3A_27 = tpu.memref_slice %arg4[%add3A, %dma_wait3A_25, %dma_wait3A_26] : memref<32x80x128xi32, #tpu.memory_space<hbm>> -> memref<1x80x128xi32, #tpu.memory_space<hbm>>
      %dma_wait3A_28 = tpu.memref_squeeze %dma_wait3A_27 : memref<1x80x128xi32, #tpu.memory_space<hbm>> -> memref<80x128xi32, #tpu.memory_space<hbm>>
      tpu.wait_dma2 semaphore(%run_scoped3A : memref<!tpu.dma_semaphore, #tpu.memory_space<semaphore_mem>>) src(%dma_wait3A_28 : memref<80x128xi32, #tpu.memory_space<hbm>>) dst(%arg8 : memref<80x128xi32, #tpu.memory_space<vmem>>)
      tpu.yield
    }) : () -> ()
    %barrier3A = arith.constant 0 : index
    tpu.barrier barrier_id(%barrier3A)
    %scan3A = arith.constant 0 : i32
    %scan3A_5 = arith.constant 0 : i32
    %scan3A_6 = arith.constant 80 : i32
    %scan3A_7 = arith.addi %scan3A_5, %scan3A_6 : i32
    %scan3A_8 = arith.constant 1 : i32
    scf.for %scan3A_15 = %scan3A_5 to %scan3A_7 step %scan3A_8  : i32 {
      %dma_start3A = arith.constant 0 : i32
      %dma_start3A_16 = tpu.memref_slice %arg7[%scan3A_15, %dma_start3A] : memref<80x128xi32, #tpu.memory_space<vmem>> -> memref<1x128xi32, #tpu.memory_space<vmem>>
      %dma_start3A_17 = tpu.memref_squeeze %dma_start3A_16 : memref<1x128xi32, #tpu.memory_space<vmem>> -> memref<128xi32, #tpu.memory_space<vmem>>
      %dma_start3A_18 = arith.constant 0 : i32
      %dma_start3A_19 = arith.constant 0 : i32
      %dma_start3A_20 = tpu.memref_slice %arg2[%dma_start3A_18, %dma_start3A_19] : memref<10000x128xf32, #tpu.memory_space<hbm>> -> memref<10000x128xf32, #tpu.memory_space<hbm>>
      tpu.enqueue_indirect_dma source(%dma_start3A_20 : memref<10000x128xf32, #tpu.memory_space<hbm>>) target(%arg9 : memref<128x128xf32, #tpu.memory_space<vmem>>) offsets(%dma_start3A_17 : memref<128xi32, #tpu.memory_space<vmem>>) semaphore(%arg11 : memref<!tpu.dma_semaphore, #tpu.memory_space<semaphore_mem>>)
      %dma_wait3A = arith.constant 0 : i32
      %dma_wait3A_21 = tpu.memref_slice %arg7[%scan3A_15, %dma_wait3A] : memref<80x128xi32, #tpu.memory_space<vmem>> -> memref<1x128xi32, #tpu.memory_space<vmem>>
      %dma_wait3A_22 = tpu.memref_squeeze %dma_wait3A_21 : memref<1x128xi32, #tpu.memory_space<vmem>> -> memref<128xi32, #tpu.memory_space<vmem>>
      %dma_wait3A_23 = arith.constant 0 : i32
      %dma_wait3A_24 = arith.constant 0 : i32
      %dma_wait3A_25 = tpu.memref_slice %arg2[%dma_wait3A_23, %dma_wait3A_24] : memref<10000x128xf32, #tpu.memory_space<hbm>> -> memref<10000x128xf32, #tpu.memory_space<hbm>>
      tpu.wait_indirect_dma semaphore(%arg11 : memref<!tpu.dma_semaphore, #tpu.memory_space<semaphore_mem>>) src(%dma_wait3A_25 : memref<10000x128xf32, #tpu.memory_space<hbm>>) dst(%arg9 : memref<128x128xf32, #tpu.memory_space<vmem>>)
      "tpu.region"() ({
        %run_scoped3A = tpu.sem_alloc : memref<!tpu.dma_semaphore, #tpu.memory_space<semaphore_mem>>
        %dma_start3A_26 = arith.constant 0 : i32
        %dma_start3A_27 = tpu.memref_slice %arg8[%scan3A_15, %dma_start3A_26] : memref<80x128xi32, #tpu.memory_space<vmem>> -> memref<1x128xi32, #tpu.memory_space<vmem>>
        %dma_start3A_28 = tpu.memref_squeeze %dma_start3A_27 : memref<1x128xi32, #tpu.memory_space<vmem>> -> memref<128xi32, #tpu.memory_space<vmem>>
        %dma_start3A_29 = arith.constant 0 : i32
        %dma_start3A_30 = arith.constant 0 : i32
        %dma_start3A_31 = tpu.memref_slice %arg10[%dma_start3A_29, %dma_start3A_30] : memref<10112x128xf32, #tpu.memory_space<vmem_shared>> -> memref<10112x128xf32, #tpu.memory_space<vmem_shared>>
        tpu.enqueue_indirect_dma source(%arg9 : memref<128x128xf32, #tpu.memory_space<vmem>>) target(%dma_start3A_31 : memref<10112x128xf32, #tpu.memory_space<vmem_shared>>) offsets(%dma_start3A_28 : memref<128xi32, #tpu.memory_space<vmem>>) semaphore(%run_scoped3A : memref<!tpu.dma_semaphore, #tpu.memory_space<semaphore_mem>>) {add = true}
        %dma_wait3A_32 = arith.constant 0 : i32
        %dma_wait3A_33 = tpu.memref_slice %arg8[%scan3A_15, %dma_wait3A_32] : memref<80x128xi32, #tpu.memory_space<vmem>> -> memref<1x128xi32, #tpu.memory_space<vmem>>
        %dma_wait3A_34 = tpu.memref_squeeze %dma_wait3A_33 : memref<1x128xi32, #tpu.memory_space<vmem>> -> memref<128xi32, #tpu.memory_space<vmem>>
        %dma_wait3A_35 = arith.constant 0 : i32
        %dma_wait3A_36 = arith.constant 0 : i32
        %dma_wait3A_37 = tpu.memref_slice %arg10[%dma_wait3A_35, %dma_wait3A_36] : memref<10112x128xf32, #tpu.memory_space<vmem_shared>> -> memref<10112x128xf32, #tpu.memory_space<vmem_shared>>
        tpu.wait_indirect_dma semaphore(%run_scoped3A : memref<!tpu.dma_semaphore, #tpu.memory_space<semaphore_mem>>) src(%arg9 : memref<128x128xf32, #tpu.memory_space<vmem>>) dst(%dma_wait3A_37 : memref<10112x128xf32, #tpu.memory_space<vmem_shared>>)
        tpu.yield
      }) : () -> ()
    }
    %scan3A_9 = arith.constant 80 : i32
    %barrier3A_10 = arith.constant 0 : index
    tpu.barrier barrier_id(%barrier3A_10)
    %mul3A_11 = arith.constant 632 : i32
    %mul3A_12 = arith.muli %arg1, %mul3A_11 : i32
    %mul3A_13 = arith.constant 632 : i32
    %mul3A_14 = arith.muli %arg1, %mul3A_13 : i32
    "tpu.region"() ({
      %run_scoped3A = tpu.sem_alloc : memref<!tpu.dma_semaphore, #tpu.memory_space<semaphore_mem>>
      %dma_start3A = arith.constant 0 : i32
      %dma_start3A_15 = tpu.memref_slice %arg6[%arg0, %mul3A_14, %dma_start3A] : memref<2x10112x128xf32, #tpu.memory_space<hbm>> -> memref<1x632x128xf32, #tpu.memory_space<hbm>>
      %dma_start3A_16 = tpu.memref_squeeze %dma_start3A_15 : memref<1x632x128xf32, #tpu.memory_space<hbm>> -> memref<632x128xf32, #tpu.memory_space<hbm>>
      %dma_start3A_17 = arith.constant 0 : i32
      %dma_start3A_18 = tpu.memref_slice %arg10[%mul3A_12, %dma_start3A_17] : memref<10112x128xf32, #tpu.memory_space<vmem_shared>> -> memref<632x128xf32, #tpu.memory_space<vmem_shared>>
      tpu.enqueue_dma source(%dma_start3A_18 : memref<632x128xf32, #tpu.memory_space<vmem_shared>>) target(%dma_start3A_16 : memref<632x128xf32, #tpu.memory_space<hbm>>) target_semaphore(%run_scoped3A : memref<!tpu.dma_semaphore, #tpu.memory_space<semaphore_mem>>)
      %dma_wait3A = arith.constant 0 : i32
      %dma_wait3A_19 = tpu.memref_slice %arg6[%arg0, %mul3A_14, %dma_wait3A] : memref<2x10112x128xf32, #tpu.memory_space<hbm>> -> memref<1x632x128xf32, #tpu.memory_space<hbm>>
      %dma_wait3A_20 = tpu.memref_squeeze %dma_wait3A_19 : memref<1x632x128xf32, #tpu.memory_space<hbm>> -> memref<632x128xf32, #tpu.memory_space<hbm>>
      %dma_wait3A_21 = arith.constant 0 : i32
      %dma_wait3A_22 = tpu.memref_slice %arg10[%mul3A_12, %dma_wait3A_21] : memref<10112x128xf32, #tpu.memory_space<vmem_shared>> -> memref<632x128xf32, #tpu.memory_space<vmem_shared>>
      tpu.wait_dma2 semaphore(%run_scoped3A : memref<!tpu.dma_semaphore, #tpu.memory_space<semaphore_mem>>) src(%dma_wait3A_22 : memref<632x128xf32, #tpu.memory_space<vmem_shared>>) dst(%dma_wait3A_20 : memref<632x128xf32, #tpu.memory_space<hbm>>)
      tpu.yield
    }) : () -> ()
    return
  }
}

#map = affine_map<(d0, d1) -> (0, 0)>
#map1 = affine_map<(d0, d1) -> (0, 0, 0)>
module attributes {stable_mosaic.version = 14 : i64} {
  func.func @_sc_scatter(%arg0: i32, %arg1: i32, %arg2: memref<10000x128xf32, #tpu.memory_space<hbm>>, %arg3: memref<32x80x128xi32, #tpu.memory_space<hbm>>, %arg4: memref<32x80x128xi32, #tpu.memory_space<hbm>>, %arg5: memref<10112x128xf32, #tpu.memory_space<hbm>>, %arg6: memref<2x10112x128xf32, #tpu.memory_space<hbm>>, %arg7: memref<80x128xi32, #tpu.memory_space<vmem>>, %arg8: memref<80x128xi32, #tpu.memory_space<vmem>>, %arg9: memref<128x128xf32, #tpu.memory_space<vmem>>, %arg10: memref<10112x128xf32, #tpu.memory_space<vmem_shared>>, %arg11: memref<!tpu.dma_semaphore, #tpu.memory_space<semaphore_mem>>) attributes {dimension_semantics = [#tpu.dimension_semantics<core_parallel>, #tpu.dimension_semantics<subcore_parallel>], iteration_bounds = array<i64: 2, 16>, scalar_prefetch = 0 : i64, scratch_operands = 5 : i64, tpu.core_type = #tpu.core_type<sc_vector_subcore>, window_params = [{transform_indices = #map}, {transform_indices = #map1}, {transform_indices = #map1}, {transform_indices = #map}, {transform_indices = #map1}]} {
    %mul3A = arith.constant 2 : i32
    %mul3A_0 = arith.muli %arg1, %mul3A : i32
    %add3A = arith.addi %mul3A_0, %arg0 : i32
    %mul3A_1 = arith.constant 632 : i32
    %mul3A_2 = arith.muli %arg1, %mul3A_1 : i32
    %mul3A_3 = arith.constant 632 : i32
    %mul3A_4 = arith.muli %arg1, %mul3A_3 : i32
    "tpu.region"() ({
      %run_scoped3A = tpu.sem_alloc : memref<!tpu.dma_semaphore, #tpu.memory_space<semaphore_mem>>
      %dma_start3A = arith.constant 0 : i32
      %dma_start3A_15 = tpu.memref_slice %arg10[%mul3A_4, %dma_start3A] : memref<10112x128xf32, #tpu.memory_space<vmem_shared>> -> memref<632x128xf32, #tpu.memory_space<vmem_shared>>
      %dma_start3A_16 = arith.constant 0 : i32
      %dma_start3A_17 = tpu.memref_slice %arg5[%mul3A_2, %dma_start3A_16] : memref<10112x128xf32, #tpu.memory_space<hbm>> -> memref<632x128xf32, #tpu.memory_space<hbm>>
      tpu.enqueue_dma source(%dma_start3A_17 : memref<632x128xf32, #tpu.memory_space<hbm>>) target(%dma_start3A_15 : memref<632x128xf32, #tpu.memory_space<vmem_shared>>) target_semaphore(%run_scoped3A : memref<!tpu.dma_semaphore, #tpu.memory_space<semaphore_mem>>)
      %dma_wait3A = arith.constant 0 : i32
      %dma_wait3A_18 = tpu.memref_slice %arg10[%mul3A_4, %dma_wait3A] : memref<10112x128xf32, #tpu.memory_space<vmem_shared>> -> memref<632x128xf32, #tpu.memory_space<vmem_shared>>
      %dma_wait3A_19 = arith.constant 0 : i32
      %dma_wait3A_20 = tpu.memref_slice %arg5[%mul3A_2, %dma_wait3A_19] : memref<10112x128xf32, #tpu.memory_space<hbm>> -> memref<632x128xf32, #tpu.memory_space<hbm>>
      tpu.wait_dma2 semaphore(%run_scoped3A : memref<!tpu.dma_semaphore, #tpu.memory_space<semaphore_mem>>) src(%dma_wait3A_20 : memref<632x128xf32, #tpu.memory_space<hbm>>) dst(%dma_wait3A_18 : memref<632x128xf32, #tpu.memory_space<vmem_shared>>)
      tpu.yield
    }) : () -> ()
    "tpu.region"() ({
      %run_scoped3A = tpu.sem_alloc : memref<!tpu.dma_semaphore, #tpu.memory_space<semaphore_mem>>
      %dma_start3A = arith.constant 0 : i32
      %dma_start3A_15 = arith.constant 0 : i32
      %dma_start3A_16 = tpu.memref_slice %arg3[%add3A, %dma_start3A, %dma_start3A_15] : memref<32x80x128xi32, #tpu.memory_space<hbm>> -> memref<1x80x128xi32, #tpu.memory_space<hbm>>
      %dma_start3A_17 = tpu.memref_squeeze %dma_start3A_16 : memref<1x80x128xi32, #tpu.memory_space<hbm>> -> memref<80x128xi32, #tpu.memory_space<hbm>>
      %dma_start3A_18 = arith.constant 0 : i32
      %dma_start3A_19 = arith.constant 0 : i32
      %dma_start3A_20 = tpu.memref_slice %arg3[%add3A, %dma_start3A_18, %dma_start3A_19] : memref<32x80x128xi32, #tpu.memory_space<hbm>> -> memref<1x80x128xi32, #tpu.memory_space<hbm>>
      %dma_start3A_21 = tpu.memref_squeeze %dma_start3A_20 : memref<1x80x128xi32, #tpu.memory_space<hbm>> -> memref<80x128xi32, #tpu.memory_space<hbm>>
      tpu.enqueue_dma source(%dma_start3A_21 : memref<80x128xi32, #tpu.memory_space<hbm>>) target(%arg7 : memref<80x128xi32, #tpu.memory_space<vmem>>) target_semaphore(%run_scoped3A : memref<!tpu.dma_semaphore, #tpu.memory_space<semaphore_mem>>)
      %dma_wait3A = arith.constant 0 : i32
      %dma_wait3A_22 = arith.constant 0 : i32
      %dma_wait3A_23 = tpu.memref_slice %arg3[%add3A, %dma_wait3A, %dma_wait3A_22] : memref<32x80x128xi32, #tpu.memory_space<hbm>> -> memref<1x80x128xi32, #tpu.memory_space<hbm>>
      %dma_wait3A_24 = tpu.memref_squeeze %dma_wait3A_23 : memref<1x80x128xi32, #tpu.memory_space<hbm>> -> memref<80x128xi32, #tpu.memory_space<hbm>>
      %dma_wait3A_25 = arith.constant 0 : i32
      %dma_wait3A_26 = arith.constant 0 : i32
      %dma_wait3A_27 = tpu.memref_slice %arg3[%add3A, %dma_wait3A_25, %dma_wait3A_26] : memref<32x80x128xi32, #tpu.memory_space<hbm>> -> memref<1x80x128xi32, #tpu.memory_space<hbm>>
      %dma_wait3A_28 = tpu.memref_squeeze %dma_wait3A_27 : memref<1x80x128xi32, #tpu.memory_space<hbm>> -> memref<80x128xi32, #tpu.memory_space<hbm>>
      tpu.wait_dma2 semaphore(%run_scoped3A : memref<!tpu.dma_semaphore, #tpu.memory_space<semaphore_mem>>) src(%dma_wait3A_28 : memref<80x128xi32, #tpu.memory_space<hbm>>) dst(%arg7 : memref<80x128xi32, #tpu.memory_space<vmem>>)
      tpu.yield
    }) : () -> ()
    "tpu.region"() ({
      %run_scoped3A = tpu.sem_alloc : memref<!tpu.dma_semaphore, #tpu.memory_space<semaphore_mem>>
      %dma_start3A = arith.constant 0 : i32
      %dma_start3A_15 = arith.constant 0 : i32
      %dma_start3A_16 = tpu.memref_slice %arg4[%add3A, %dma_start3A, %dma_start3A_15] : memref<32x80x128xi32, #tpu.memory_space<hbm>> -> memref<1x80x128xi32, #tpu.memory_space<hbm>>
      %dma_start3A_17 = tpu.memref_squeeze %dma_start3A_16 : memref<1x80x128xi32, #tpu.memory_space<hbm>> -> memref<80x128xi32, #tpu.memory_space<hbm>>
      %dma_start3A_18 = arith.constant 0 : i32
      %dma_start3A_19 = arith.constant 0 : i32
      %dma_start3A_20 = tpu.memref_slice %arg4[%add3A, %dma_start3A_18, %dma_start3A_19] : memref<32x80x128xi32, #tpu.memory_space<hbm>> -> memref<1x80x128xi32, #tpu.memory_space<hbm>>
      %dma_start3A_21 = tpu.memref_squeeze %dma_start3A_20 : memref<1x80x128xi32, #tpu.memory_space<hbm>> -> memref<80x128xi32, #tpu.memory_space<hbm>>
      tpu.enqueue_dma source(%dma_start3A_21 : memref<80x128xi32, #tpu.memory_space<hbm>>) target(%arg8 : memref<80x128xi32, #tpu.memory_space<vmem>>) target_semaphore(%run_scoped3A : memref<!tpu.dma_semaphore, #tpu.memory_space<semaphore_mem>>)
      %dma_wait3A = arith.constant 0 : i32
      %dma_wait3A_22 = arith.constant 0 : i32
      %dma_wait3A_23 = tpu.memref_slice %arg4[%add3A, %dma_wait3A, %dma_wait3A_22] : memref<32x80x128xi32, #tpu.memory_space<hbm>> -> memref<1x80x128xi32, #tpu.memory_space<hbm>>
      %dma_wait3A_24 = tpu.memref_squeeze %dma_wait3A_23 : memref<1x80x128xi32, #tpu.memory_space<hbm>> -> memref<80x128xi32, #tpu.memory_space<hbm>>
      %dma_wait3A_25 = arith.constant 0 : i32
      %dma_wait3A_26 = arith.constant 0 : i32
      %dma_wait3A_27 = tpu.memref_slice %arg4[%add3A, %dma_wait3A_25, %dma_wait3A_26] : memref<32x80x128xi32, #tpu.memory_space<hbm>> -> memref<1x80x128xi32, #tpu.memory_space<hbm>>
      %dma_wait3A_28 = tpu.memref_squeeze %dma_wait3A_27 : memref<1x80x128xi32, #tpu.memory_space<hbm>> -> memref<80x128xi32, #tpu.memory_space<hbm>>
      tpu.wait_dma2 semaphore(%run_scoped3A : memref<!tpu.dma_semaphore, #tpu.memory_space<semaphore_mem>>) src(%dma_wait3A_28 : memref<80x128xi32, #tpu.memory_space<hbm>>) dst(%arg8 : memref<80x128xi32, #tpu.memory_space<vmem>>)
      tpu.yield
    }) : () -> ()
    %barrier3A = arith.constant 0 : index
    tpu.barrier barrier_id(%barrier3A)
    %scan3A = arith.constant 0 : i32
    %scan3A_5 = arith.constant 0 : i32
    %scan3A_6 = arith.constant 80 : i32
    %scan3A_7 = arith.addi %scan3A_5, %scan3A_6 : i32
    %scan3A_8 = arith.constant 1 : i32
    scf.for %scan3A_15 = %scan3A_5 to %scan3A_7 step %scan3A_8  : i32 {
      %dma_start3A = arith.constant 0 : i32
      %dma_start3A_16 = tpu.memref_slice %arg7[%scan3A_15, %dma_start3A] : memref<80x128xi32, #tpu.memory_space<vmem>> -> memref<1x128xi32, #tpu.memory_space<vmem>>
      %dma_start3A_17 = tpu.memref_squeeze %dma_start3A_16 : memref<1x128xi32, #tpu.memory_space<vmem>> -> memref<128xi32, #tpu.memory_space<vmem>>
      %dma_start3A_18 = arith.constant 0 : i32
      %dma_start3A_19 = arith.constant 0 : i32
      %dma_start3A_20 = tpu.memref_slice %arg2[%dma_start3A_18, %dma_start3A_19] : memref<10000x128xf32, #tpu.memory_space<hbm>> -> memref<10000x128xf32, #tpu.memory_space<hbm>>
      tpu.enqueue_indirect_dma source(%dma_start3A_20 : memref<10000x128xf32, #tpu.memory_space<hbm>>) target(%arg9 : memref<128x128xf32, #tpu.memory_space<vmem>>) offsets(%dma_start3A_17 : memref<128xi32, #tpu.memory_space<vmem>>) semaphore(%arg11 : memref<!tpu.dma_semaphore, #tpu.memory_space<semaphore_mem>>)
      %dma_wait3A = arith.constant 0 : i32
      %dma_wait3A_21 = tpu.memref_slice %arg7[%scan3A_15, %dma_wait3A] : memref<80x128xi32, #tpu.memory_space<vmem>> -> memref<1x128xi32, #tpu.memory_space<vmem>>
      %dma_wait3A_22 = tpu.memref_squeeze %dma_wait3A_21 : memref<1x128xi32, #tpu.memory_space<vmem>> -> memref<128xi32, #tpu.memory_space<vmem>>
      %dma_wait3A_23 = arith.constant 0 : i32
      %dma_wait3A_24 = arith.constant 0 : i32
      %dma_wait3A_25 = tpu.memref_slice %arg2[%dma_wait3A_23, %dma_wait3A_24] : memref<10000x128xf32, #tpu.memory_space<hbm>> -> memref<10000x128xf32, #tpu.memory_space<hbm>>
      tpu.wait_indirect_dma semaphore(%arg11 : memref<!tpu.dma_semaphore, #tpu.memory_space<semaphore_mem>>) src(%dma_wait3A_25 : memref<10000x128xf32, #tpu.memory_space<hbm>>) dst(%arg9 : memref<128x128xf32, #tpu.memory_space<vmem>>)
      "tpu.region"() ({
        %run_scoped3A = tpu.sem_alloc : memref<!tpu.dma_semaphore, #tpu.memory_space<semaphore_mem>>
        %dma_start3A_26 = arith.constant 0 : i32
        %dma_start3A_27 = tpu.memref_slice %arg8[%scan3A_15, %dma_start3A_26] : memref<80x128xi32, #tpu.memory_space<vmem>> -> memref<1x128xi32, #tpu.memory_space<vmem>>
        %dma_start3A_28 = tpu.memref_squeeze %dma_start3A_27 : memref<1x128xi32, #tpu.memory_space<vmem>> -> memref<128xi32, #tpu.memory_space<vmem>>
        %dma_start3A_29 = arith.constant 0 : i32
        %dma_start3A_30 = arith.constant 0 : i32
        %dma_start3A_31 = tpu.memref_slice %arg10[%dma_start3A_29, %dma_start3A_30] : memref<10112x128xf32, #tpu.memory_space<vmem_shared>> -> memref<10112x128xf32, #tpu.memory_space<vmem_shared>>
        tpu.enqueue_indirect_dma source(%arg9 : memref<128x128xf32, #tpu.memory_space<vmem>>) target(%dma_start3A_31 : memref<10112x128xf32, #tpu.memory_space<vmem_shared>>) offsets(%dma_start3A_28 : memref<128xi32, #tpu.memory_space<vmem>>) semaphore(%run_scoped3A : memref<!tpu.dma_semaphore, #tpu.memory_space<semaphore_mem>>) {add = true}
        %dma_wait3A_32 = arith.constant 0 : i32
        %dma_wait3A_33 = tpu.memref_slice %arg8[%scan3A_15, %dma_wait3A_32] : memref<80x128xi32, #tpu.memory_space<vmem>> -> memref<1x128xi32, #tpu.memory_space<vmem>>
        %dma_wait3A_34 = tpu.memref_squeeze %dma_wait3A_33 : memref<1x128xi32, #tpu.memory_space<vmem>> -> memref<128xi32, #tpu.memory_space<vmem>>
        %dma_wait3A_35 = arith.constant 0 : i32
        %dma_wait3A_36 = arith.constant 0 : i32
        %dma_wait3A_37 = tpu.memref_slice %arg10[%dma_wait3A_35, %dma_wait3A_36] : memref<10112x128xf32, #tpu.memory_space<vmem_shared>> -> memref<10112x128xf32, #tpu.memory_space<vmem_shared>>
        tpu.wait_indirect_dma semaphore(%run_scoped3A : memref<!tpu.dma_semaphore, #tpu.memory_space<semaphore_mem>>) src(%arg9 : memref<128x128xf32, #tpu.memory_space<vmem>>) dst(%dma_wait3A_37 : memref<10112x128xf32, #tpu.memory_space<vmem_shared>>)
        tpu.yield
      }) : () -> ()
    }
    %scan3A_9 = arith.constant 80 : i32
    %barrier3A_10 = arith.constant 0 : index
    tpu.barrier barrier_id(%barrier3A_10)
    %mul3A_11 = arith.constant 632 : i32
    %mul3A_12 = arith.muli %arg1, %mul3A_11 : i32
    %mul3A_13 = arith.constant 632 : i32
    %mul3A_14 = arith.muli %arg1, %mul3A_13 : i32
    "tpu.region"() ({
      %run_scoped3A = tpu.sem_alloc : memref<!tpu.dma_semaphore, #tpu.memory_space<semaphore_mem>>
      %dma_start3A = arith.constant 0 : i32
      %dma_start3A_15 = tpu.memref_slice %arg6[%arg0, %mul3A_14, %dma_start3A] : memref<2x10112x128xf32, #tpu.memory_space<hbm>> -> memref<1x632x128xf32, #tpu.memory_space<hbm>>
      %dma_start3A_16 = tpu.memref_squeeze %dma_start3A_15 : memref<1x632x128xf32, #tpu.memory_space<hbm>> -> memref<632x128xf32, #tpu.memory_space<hbm>>
      %dma_start3A_17 = arith.constant 0 : i32
      %dma_start3A_18 = tpu.memref_slice %arg10[%mul3A_12, %dma_start3A_17] : memref<10112x128xf32, #tpu.memory_space<vmem_shared>> -> memref<632x128xf32, #tpu.memory_space<vmem_shared>>
      tpu.enqueue_dma source(%dma_start3A_18 : memref<632x128xf32, #tpu.memory_space<vmem_shared>>) target(%dma_start3A_16 : memref<632x128xf32, #tpu.memory_space<hbm>>) target_semaphore(%run_scoped3A : memref<!tpu.dma_semaphore, #tpu.memory_space<semaphore_mem>>)
      %dma_wait3A = arith.constant 0 : i32
      %dma_wait3A_19 = tpu.memref_slice %arg6[%arg0, %mul3A_14, %dma_wait3A] : memref<2x10112x128xf32, #tpu.memory_space<hbm>> -> memref<1x632x128xf32, #tpu.memory_space<hbm>>
      %dma_wait3A_20 = tpu.memref_squeeze %dma_wait3A_19 : memref<1x632x128xf32, #tpu.memory_space<hbm>> -> memref<632x128xf32, #tpu.memory_space<hbm>>
      %dma_wait3A_21 = arith.constant 0 : i32
      %dma_wait3A_22 = tpu.memref_slice %arg10[%mul3A_12, %dma_wait3A_21] : memref<10112x128xf32, #tpu.memory_space<vmem_shared>> -> memref<632x128xf32, #tpu.memory_space<vmem_shared>>
      tpu.wait_dma2 semaphore(%run_scoped3A : memref<!tpu.dma_semaphore, #tpu.memory_space<semaphore_mem>>) src(%dma_wait3A_22 : memref<632x128xf32, #tpu.memory_space<vmem_shared>>) dst(%dma_wait3A_20 : memref<632x128xf32, #tpu.memory_space<hbm>>)
      tpu.yield
    }) : () -> ()
    return
  }
}

module attributes {stable_mosaic.version = 14 : i64} {
  func.func @_tc_pre_body(%arg0: i32, %arg1: memref<2000x128xf32, #tpu.memory_space<vmem>>, %arg2: memref<128x128xf32, #tpu.memory_space<vmem>>, %arg3: memref<1x128xf32, #tpu.memory_space<vmem>>, %arg4: memref<128x128xf32, #tpu.memory_space<vmem>>, %arg5: memref<1x128xf32, #tpu.memory_space<vmem>>, %arg6: memref<128x128xf32, #tpu.memory_space<vmem>>, %arg7: memref<2000x1xf32, #tpu.memory_space<vmem>>, %arg8: memref<2000x1xf32, #tpu.memory_space<vmem>>, %arg9: memref<2000x128xf32, #tpu.memory_space<vmem>>, %arg10: memref<2000x1xf32, #tpu.memory_space<vmem>>) attributes {dimension_semantics = [#tpu.dimension_semantics<arbitrary>], iteration_bounds = array<i64: 5>, scalar_prefetch = 0 : i64, scratch_operands = 0 : i64, tpu.core_type = #tpu.core_type<tc>, window_params = [{transform_indices = @transform_0, window_bounds = array<i64: 2000, 128>}, {pipeline_mode = #tpu.pipeline_mode<synchronous>, transform_indices = @transform_1, window_bounds = array<i64: 128, 128>}, {pipeline_mode = #tpu.pipeline_mode<synchronous>, transform_indices = @transform_2, window_bounds = array<i64: 1, 128>}, {pipeline_mode = #tpu.pipeline_mode<synchronous>, transform_indices = @transform_3, window_bounds = array<i64: 128, 128>}, {pipeline_mode = #tpu.pipeline_mode<synchronous>, transform_indices = @transform_4, window_bounds = array<i64: 1, 128>}, {pipeline_mode = #tpu.pipeline_mode<synchronous>, transform_indices = @transform_5, window_bounds = array<i64: 128, 128>}, {transform_indices = @transform_6, window_bounds = array<i64: 2000, 1>}, {transform_indices = @transform_7, window_bounds = array<i64: 2000, 1>}, {transform_indices = @transform_8, window_bounds = array<i64: 2000, 128>}, {transform_indices = @transform_9, window_bounds = array<i64: 2000, 1>}]} {
    %get3A = arith.constant 0 : index
    %get3A_0 = arith.constant 0 : index
    %get3A_1 = vector.load %arg1[%get3A, %get3A_0] : memref<2000x128xf32, #tpu.memory_space<vmem>>, vector<2000x128xf32>
    %get3A_2 = arith.constant 0 : index
    %get3A_3 = arith.constant 0 : index
    %get3A_4 = vector.load %arg2[%get3A_2, %get3A_3] : memref<128x128xf32, #tpu.memory_space<vmem>>, vector<128x128xf32>
    %dot_general3A = arith.constant dense<0.000000e+00> : vector<2000x128xf32>
    %dot_general3A_5 = tpu.matmul %get3A_1, %get3A_4, %dot_general3A {dimension_numbers = #tpu.dot_dimension_numbers<[1], [0], [0], [1], [0, 0, 1, 1], [], []>, transpose_lhs_hint = false} : vector<2000x128xf32>, vector<128x128xf32>, vector<2000x128xf32> -> vector<2000x128xf32>
    %get3A_6 = arith.constant 0 : index
    %get3A_7 = arith.constant 0 : index
    %get3A_8 = vector.load %arg3[%get3A_6, %get3A_7] : memref<1x128xf32, #tpu.memory_space<vmem>>, vector<1x128xf32>
    %add3A = vector.broadcast %get3A_8 : vector<1x128xf32> to vector<2000x128xf32>
    %add3A_9 = arith.addf %dot_general3A_5, %add3A : vector<2000x128xf32>
    %max3A = arith.constant 0.000000e+00 : f32
    %max3A_10 = vector.broadcast %max3A : f32 to vector<2000x128xf32>
    %max3A_11 = arith.maximumf %add3A_9, %max3A_10 : vector<2000x128xf32>
    %get3A_12 = arith.constant 0 : index
    %get3A_13 = arith.constant 0 : index
    %get3A_14 = vector.load %arg4[%get3A_12, %get3A_13] : memref<128x128xf32, #tpu.memory_space<vmem>>, vector<128x128xf32>
    %dot_general3A_15 = arith.constant dense<0.000000e+00> : vector<2000x128xf32>
    %dot_general3A_16 = tpu.matmul %max3A_11, %get3A_14, %dot_general3A_15 {dimension_numbers = #tpu.dot_dimension_numbers<[1], [0], [0], [1], [0, 0, 1, 1], [], []>, transpose_lhs_hint = false} : vector<2000x128xf32>, vector<128x128xf32>, vector<2000x128xf32> -> vector<2000x128xf32>
    %get3A_17 = arith.constant 0 : index
    %get3A_18 = arith.constant 0 : index
    %get3A_19 = vector.load %arg5[%get3A_17, %get3A_18] : memref<1x128xf32, #tpu.memory_space<vmem>>, vector<1x128xf32>
    %add3A_20 = vector.broadcast %get3A_19 : vector<1x128xf32> to vector<2000x128xf32>
    %add3A_21 = arith.addf %dot_general3A_16, %add3A_20 : vector<2000x128xf32>
    %max3A_22 = arith.constant 0.000000e+00 : f32
    %max3A_23 = vector.broadcast %max3A_22 : f32 to vector<2000x128xf32>
    %max3A_24 = arith.maximumf %add3A_21, %max3A_23 : vector<2000x128xf32>
    %get3A_25 = arith.constant 0 : index
    %get3A_26 = arith.constant 0 : index
    %get3A_27 = vector.load %arg7[%get3A_25, %get3A_26] : memref<2000x1xf32, #tpu.memory_space<vmem>>, vector<2000x1xf32>
    %get3A_28 = arith.constant 0 : index
    %get3A_29 = arith.constant 0 : index
    %get3A_30 = vector.load %arg8[%get3A_28, %get3A_29] : memref<2000x1xf32, #tpu.memory_space<vmem>>, vector<2000x1xf32>
    %add3A_31 = arith.addf %get3A_27, %get3A_30 : vector<2000x1xf32>
    %add3A_32 = arith.constant 1.000000e+00 : f32
    %add3A_33 = vector.broadcast %add3A_32 : f32 to vector<2000x1xf32>
    %add3A_34 = arith.addf %add3A_31, %add3A_33 : vector<2000x1xf32>
    %rsqrt3A = math.rsqrt %add3A_34 : vector<2000x1xf32>
    %swap3A = arith.constant 0 : index
    %swap3A_35 = arith.constant 0 : index
    %swap3A_36 = vector.load %arg10[%swap3A, %swap3A_35] : memref<2000x1xf32, #tpu.memory_space<vmem>>, vector<2000x1xf32>
    tpu.vector_store %arg10[%swap3A, %swap3A_35], %rsqrt3A {strides = array<i32>} : memref<2000x1xf32, #tpu.memory_space<vmem>>, vector<2000x1xf32>,
    %get3A_37 = arith.constant 0 : index
    %get3A_38 = arith.constant 0 : index
    %get3A_39 = vector.load %arg6[%get3A_37, %get3A_38] : memref<128x128xf32, #tpu.memory_space<vmem>>, vector<128x128xf32>
    %dot_general3A_40 = arith.constant dense<0.000000e+00> : vector<2000x128xf32>
    %dot_general3A_41 = tpu.matmul %max3A_24, %get3A_39, %dot_general3A_40 {dimension_numbers = #tpu.dot_dimension_numbers<[1], [0], [0], [1], [0, 0, 1, 1], [], []>, transpose_lhs_hint = false} : vector<2000x128xf32>, vector<128x128xf32>, vector<2000x128xf32> -> vector<2000x128xf32>
    %mul3A = vector.broadcast %rsqrt3A : vector<2000x1xf32> to vector<2000x128xf32>
    %mul3A_42 = arith.mulf %dot_general3A_41, %mul3A : vector<2000x128xf32>
    %swap3A_43 = arith.constant 0 : index
    %swap3A_44 = arith.constant 0 : index
    %swap3A_45 = vector.load %arg9[%swap3A_43, %swap3A_44] : memref<2000x128xf32, #tpu.memory_space<vmem>>, vector<2000x128xf32>
    tpu.vector_store %arg9[%swap3A_43, %swap3A_44], %mul3A_42 {strides = array<i32>} : memref<2000x128xf32, #tpu.memory_space<vmem>>, vector<2000x128xf32>,
    return
  }
  func.func @transform_0(%arg0: i32) -> (i32, i32) {
    %c0_i32 = arith.constant 0 : i32
    %c0_i32_0 = arith.constant 0 : i32
    return %arg0, %c0_i32 : i32, i32
  }
  func.func @transform_1(%arg0: i32) -> (i32, i32) {
    %c0_i32 = arith.constant 0 : i32
    %c0_i32_0 = arith.constant 0 : i32
    %c0_i32_1 = arith.constant 0 : i32
    return %c0_i32, %c0_i32_0 : i32, i32
  }
  func.func @transform_2(%arg0: i32) -> (i32, i32) {
    %c0_i32 = arith.constant 0 : i32
    %c0_i32_0 = arith.constant 0 : i32
    %c0_i32_1 = arith.constant 0 : i32
    return %c0_i32, %c0_i32_0 : i32, i32
  }
  func.func @transform_3(%arg0: i32) -> (i32, i32) {
    %c0_i32 = arith.constant 0 : i32
    %c0_i32_0 = arith.constant 0 : i32
    %c0_i32_1 = arith.constant 0 : i32
    return %c0_i32, %c0_i32_0 : i32, i32
  }
  func.func @transform_4(%arg0: i32) -> (i32, i32) {
    %c0_i32 = arith.constant 0 : i32
    %c0_i32_0 = arith.constant 0 : i32
    %c0_i32_1 = arith.constant 0 : i32
    return %c0_i32, %c0_i32_0 : i32, i32
  }
  func.func @transform_5(%arg0: i32) -> (i32, i32) {
    %c0_i32 = arith.constant 0 : i32
    %c0_i32_0 = arith.constant 0 : i32
    %c0_i32_1 = arith.constant 0 : i32
    return %c0_i32, %c0_i32_0 : i32, i32
  }
  func.func @transform_6(%arg0: i32) -> (i32, i32) {
    %c0_i32 = arith.constant 0 : i32
    %c0_i32_0 = arith.constant 0 : i32
    return %arg0, %c0_i32 : i32, i32
  }
  func.func @transform_7(%arg0: i32) -> (i32, i32) {
    %c0_i32 = arith.constant 0 : i32
    %c0_i32_0 = arith.constant 0 : i32
    return %arg0, %c0_i32 : i32, i32
  }
  func.func @transform_8(%arg0: i32) -> (i32, i32) {
    %c0_i32 = arith.constant 0 : i32
    %c0_i32_0 = arith.constant 0 : i32
    return %arg0, %c0_i32 : i32, i32
  }
  func.func @transform_9(%arg0: i32) -> (i32, i32) {
    %c0_i32 = arith.constant 0 : i32
    %c0_i32_0 = arith.constant 0 : i32
    return %arg0, %c0_i32 : i32, i32
  }
}

module attributes {stable_mosaic.version = 14 : i64} {
  func.func @_tc_mid_body(%arg0: i32, %arg1: memref<2000x128xf32, #tpu.memory_space<vmem>>, %arg2: memref<2000x128xf32, #tpu.memory_space<vmem>>, %arg3: memref<2000x128xf32, #tpu.memory_space<vmem>>, %arg4: memref<2000x1xf32, #tpu.memory_space<vmem>>, %arg5: memref<1x128xf32, #tpu.memory_space<vmem>>, %arg6: memref<1x128xf32, #tpu.memory_space<vmem>>, %arg7: memref<1x128xf32, #tpu.memory_space<vmem>>, %arg8: memref<1x128xf32, #tpu.memory_space<vmem>>, %arg9: memref<1x128xf32, #tpu.memory_space<vmem>>, %arg10: memref<128x128xf32, #tpu.memory_space<vmem>>, %arg11: memref<2000x128xf32, #tpu.memory_space<vmem>>) attributes {dimension_semantics = [#tpu.dimension_semantics<arbitrary>], iteration_bounds = array<i64: 5>, scalar_prefetch = 0 : i64, scratch_operands = 0 : i64, tpu.core_type = #tpu.core_type<tc>, window_params = [{transform_indices = @transform_0, window_bounds = array<i64: 2000, 128>}, {transform_indices = @transform_1, window_bounds = array<i64: 2000, 128>}, {transform_indices = @transform_2, window_bounds = array<i64: 2000, 128>}, {transform_indices = @transform_3, window_bounds = array<i64: 2000, 1>}, {pipeline_mode = #tpu.pipeline_mode<synchronous>, transform_indices = @transform_4, window_bounds = array<i64: 1, 128>}, {pipeline_mode = #tpu.pipeline_mode<synchronous>, transform_indices = @transform_5, window_bounds = array<i64: 1, 128>}, {pipeline_mode = #tpu.pipeline_mode<synchronous>, transform_indices = @transform_6, window_bounds = array<i64: 1, 128>}, {pipeline_mode = #tpu.pipeline_mode<synchronous>, transform_indices = @transform_7, window_bounds = array<i64: 1, 128>}, {pipeline_mode = #tpu.pipeline_mode<synchronous>, transform_indices = @transform_8, window_bounds = array<i64: 1, 128>}, {pipeline_mode = #tpu.pipeline_mode<synchronous>, transform_indices = @transform_9, window_bounds = array<i64: 128, 128>}, {transform_indices = @transform_10, window_bounds = array<i64: 2000, 128>}]} {
    %get3A = arith.constant 0 : index
    %get3A_0 = arith.constant 0 : index
    %get3A_1 = vector.load %arg4[%get3A, %get3A_0] : memref<2000x1xf32, #tpu.memory_space<vmem>>, vector<2000x1xf32>
    %get3A_2 = arith.constant 0 : index
    %get3A_3 = arith.constant 0 : index
    %get3A_4 = vector.load %arg1[%get3A_2, %get3A_3] : memref<2000x128xf32, #tpu.memory_space<vmem>>, vector<2000x128xf32>
    %get3A_5 = arith.constant 0 : index
    %get3A_6 = arith.constant 0 : index
    %get3A_7 = vector.load %arg2[%get3A_5, %get3A_6] : memref<2000x128xf32, #tpu.memory_space<vmem>>, vector<2000x128xf32>
    %add3A = arith.addf %get3A_4, %get3A_7 : vector<2000x128xf32>
    %get3A_8 = arith.constant 0 : index
    %get3A_9 = arith.constant 0 : index
    %get3A_10 = vector.load %arg3[%get3A_8, %get3A_9] : memref<2000x128xf32, #tpu.memory_space<vmem>>, vector<2000x128xf32>
    %add3A_11 = arith.addf %add3A, %get3A_10 : vector<2000x128xf32>
    %mul3A = vector.broadcast %get3A_1 : vector<2000x1xf32> to vector<2000x128xf32>
    %mul3A_12 = arith.mulf %mul3A, %add3A_11 : vector<2000x128xf32>
    %get3A_13 = arith.constant 0 : index
    %get3A_14 = arith.constant 0 : index
    %get3A_15 = vector.load %arg5[%get3A_13, %get3A_14] : memref<1x128xf32, #tpu.memory_space<vmem>>, vector<1x128xf32>
    %add3A_16 = vector.broadcast %get3A_15 : vector<1x128xf32> to vector<2000x128xf32>
    %add3A_17 = arith.addf %mul3A_12, %add3A_16 : vector<2000x128xf32>
    %get3A_18 = arith.constant 0 : index
    %get3A_19 = arith.constant 0 : index
    %get3A_20 = vector.load %arg6[%get3A_18, %get3A_19] : memref<1x128xf32, #tpu.memory_space<vmem>>, vector<1x128xf32>
    %get3A_21 = arith.constant 0 : index
    %get3A_22 = arith.constant 0 : index
    %get3A_23 = vector.load %arg8[%get3A_21, %get3A_22] : memref<1x128xf32, #tpu.memory_space<vmem>>, vector<1x128xf32>
    %sub3A = vector.broadcast %get3A_23 : vector<1x128xf32> to vector<2000x128xf32>
    %sub3A_24 = arith.subf %add3A_17, %sub3A : vector<2000x128xf32>
    %mul3A_25 = vector.broadcast %get3A_20 : vector<1x128xf32> to vector<2000x128xf32>
    %mul3A_26 = arith.mulf %mul3A_25, %sub3A_24 : vector<2000x128xf32>
    %get3A_27 = arith.constant 0 : index
    %get3A_28 = arith.constant 0 : index
    %get3A_29 = vector.load %arg9[%get3A_27, %get3A_28] : memref<1x128xf32, #tpu.memory_space<vmem>>, vector<1x128xf32>
    %add3A_30 = arith.constant 9.99999974E-6 : f32
    %add3A_31 = vector.broadcast %add3A_30 : f32 to vector<1x128xf32>
    %add3A_32 = arith.addf %get3A_29, %add3A_31 : vector<1x128xf32>
    %rsqrt3A = math.rsqrt %add3A_32 : vector<1x128xf32>
    %mul3A_33 = vector.broadcast %rsqrt3A : vector<1x128xf32> to vector<2000x128xf32>
    %mul3A_34 = arith.mulf %mul3A_26, %mul3A_33 : vector<2000x128xf32>
    %get3A_35 = arith.constant 0 : index
    %get3A_36 = arith.constant 0 : index
    %get3A_37 = vector.load %arg7[%get3A_35, %get3A_36] : memref<1x128xf32, #tpu.memory_space<vmem>>, vector<1x128xf32>
    %add3A_38 = vector.broadcast %get3A_37 : vector<1x128xf32> to vector<2000x128xf32>
    %add3A_39 = arith.addf %mul3A_34, %add3A_38 : vector<2000x128xf32>
    %max3A = arith.constant 0.000000e+00 : f32
    %max3A_40 = vector.broadcast %max3A : f32 to vector<2000x128xf32>
    %max3A_41 = arith.maximumf %add3A_39, %max3A_40 : vector<2000x128xf32>
    %get3A_42 = arith.constant 0 : index
    %get3A_43 = arith.constant 0 : index
    %get3A_44 = vector.load %arg10[%get3A_42, %get3A_43] : memref<128x128xf32, #tpu.memory_space<vmem>>, vector<128x128xf32>
    %dot_general3A = arith.constant dense<0.000000e+00> : vector<2000x128xf32>
    %dot_general3A_45 = tpu.matmul %max3A_41, %get3A_44, %dot_general3A {dimension_numbers = #tpu.dot_dimension_numbers<[1], [0], [0], [1], [0, 0, 1, 1], [], []>, transpose_lhs_hint = false} : vector<2000x128xf32>, vector<128x128xf32>, vector<2000x128xf32> -> vector<2000x128xf32>
    %get3A_46 = arith.constant 0 : index
    %get3A_47 = arith.constant 0 : index
    %get3A_48 = vector.load %arg4[%get3A_46, %get3A_47] : memref<2000x1xf32, #tpu.memory_space<vmem>>, vector<2000x1xf32>
    %mul3A_49 = vector.broadcast %get3A_48 : vector<2000x1xf32> to vector<2000x128xf32>
    %mul3A_50 = arith.mulf %dot_general3A_45, %mul3A_49 : vector<2000x128xf32>
    %swap3A = arith.constant 0 : index
    %swap3A_51 = arith.constant 0 : index
    %swap3A_52 = vector.load %arg11[%swap3A, %swap3A_51] : memref<2000x128xf32, #tpu.memory_space<vmem>>, vector<2000x128xf32>
    tpu.vector_store %arg11[%swap3A, %swap3A_51], %mul3A_50 {strides = array<i32>} : memref<2000x128xf32, #tpu.memory_space<vmem>>, vector<2000x128xf32>,
    return
  }
  func.func @transform_0(%arg0: i32) -> (i32, i32) {
    %c0_i32 = arith.constant 0 : i32
    %c0_i32_0 = arith.constant 0 : i32
    return %arg0, %c0_i32 : i32, i32
  }
  func.func @transform_1(%arg0: i32) -> (i32, i32) {
    %c0_i32 = arith.constant 0 : i32
    %c0_i32_0 = arith.constant 0 : i32
    return %arg0, %c0_i32 : i32, i32
  }
  func.func @transform_2(%arg0: i32) -> (i32, i32) {
    %c0_i32 = arith.constant 0 : i32
    %c0_i32_0 = arith.constant 0 : i32
    return %arg0, %c0_i32 : i32, i32
  }
  func.func @transform_3(%arg0: i32) -> (i32, i32) {
    %c0_i32 = arith.constant 0 : i32
    %c0_i32_0 = arith.constant 0 : i32
    return %arg0, %c0_i32 : i32, i32
  }
  func.func @transform_4(%arg0: i32) -> (i32, i32) {
    %c0_i32 = arith.constant 0 : i32
    %c0_i32_0 = arith.constant 0 : i32
    %c0_i32_1 = arith.constant 0 : i32
    return %c0_i32, %c0_i32_0 : i32, i32
  }
  func.func @transform_5(%arg0: i32) -> (i32, i32) {
    %c0_i32 = arith.constant 0 : i32
    %c0_i32_0 = arith.constant 0 : i32
    %c0_i32_1 = arith.constant 0 : i32
    return %c0_i32, %c0_i32_0 : i32, i32
  }
  func.func @transform_6(%arg0: i32) -> (i32, i32) {
    %c0_i32 = arith.constant 0 : i32
    %c0_i32_0 = arith.constant 0 : i32
    %c0_i32_1 = arith.constant 0 : i32
    return %c0_i32, %c0_i32_0 : i32, i32
  }
  func.func @transform_7(%arg0: i32) -> (i32, i32) {
    %c0_i32 = arith.constant 0 : i32
    %c0_i32_0 = arith.constant 0 : i32
    %c0_i32_1 = arith.constant 0 : i32
    return %c0_i32, %c0_i32_0 : i32, i32
  }
  func.func @transform_8(%arg0: i32) -> (i32, i32) {
    %c0_i32 = arith.constant 0 : i32
    %c0_i32_0 = arith.constant 0 : i32
    %c0_i32_1 = arith.constant 0 : i32
    return %c0_i32, %c0_i32_0 : i32, i32
  }
  func.func @transform_9(%arg0: i32) -> (i32, i32) {
    %c0_i32 = arith.constant 0 : i32
    %c0_i32_0 = arith.constant 0 : i32
    %c0_i32_1 = arith.constant 0 : i32
    return %c0_i32, %c0_i32_0 : i32, i32
  }
  func.func @transform_10(%arg0: i32) -> (i32, i32) {
    %c0_i32 = arith.constant 0 : i32
    %c0_i32_0 = arith.constant 0 : i32
    return %arg0, %c0_i32 : i32, i32
  }
}

module attributes {stable_mosaic.version = 14 : i64} {
  func.func @_tc_post_body(%arg0: i32, %arg1: memref<2000x128xf32, #tpu.memory_space<vmem>>, %arg2: memref<2000x128xf32, #tpu.memory_space<vmem>>, %arg3: memref<2000x128xf32, #tpu.memory_space<vmem>>, %arg4: memref<2000x1xf32, #tpu.memory_space<vmem>>, %arg5: memref<1x128xf32, #tpu.memory_space<vmem>>, %arg6: memref<128x128xf32, #tpu.memory_space<vmem>>, %arg7: memref<1x128xf32, #tpu.memory_space<vmem>>, %arg8: memref<128x40xf32, #tpu.memory_space<vmem>>, %arg9: memref<1x40xf32, #tpu.memory_space<vmem>>, %arg10: memref<2000x40xf32, #tpu.memory_space<vmem>>) attributes {dimension_semantics = [#tpu.dimension_semantics<arbitrary>], iteration_bounds = array<i64: 5>, scalar_prefetch = 0 : i64, scratch_operands = 0 : i64, tpu.core_type = #tpu.core_type<tc>, window_params = [{transform_indices = @transform_0, window_bounds = array<i64: 2000, 128>}, {transform_indices = @transform_1, window_bounds = array<i64: 2000, 128>}, {transform_indices = @transform_2, window_bounds = array<i64: 2000, 128>}, {transform_indices = @transform_3, window_bounds = array<i64: 2000, 1>}, {pipeline_mode = #tpu.pipeline_mode<synchronous>, transform_indices = @transform_4, window_bounds = array<i64: 1, 128>}, {pipeline_mode = #tpu.pipeline_mode<synchronous>, transform_indices = @transform_5, window_bounds = array<i64: 128, 128>}, {pipeline_mode = #tpu.pipeline_mode<synchronous>, transform_indices = @transform_6, window_bounds = array<i64: 1, 128>}, {pipeline_mode = #tpu.pipeline_mode<synchronous>, transform_indices = @transform_7, window_bounds = array<i64: 128, 40>}, {pipeline_mode = #tpu.pipeline_mode<synchronous>, transform_indices = @transform_8, window_bounds = array<i64: 1, 40>}, {transform_indices = @transform_9, window_bounds = array<i64: 2000, 40>}]} {
    %get3A = arith.constant 0 : index
    %get3A_0 = arith.constant 0 : index
    %get3A_1 = vector.load %arg4[%get3A, %get3A_0] : memref<2000x1xf32, #tpu.memory_space<vmem>>, vector<2000x1xf32>
    %get3A_2 = arith.constant 0 : index
    %get3A_3 = arith.constant 0 : index
    %get3A_4 = vector.load %arg1[%get3A_2, %get3A_3] : memref<2000x128xf32, #tpu.memory_space<vmem>>, vector<2000x128xf32>
    %get3A_5 = arith.constant 0 : index
    %get3A_6 = arith.constant 0 : index
    %get3A_7 = vector.load %arg2[%get3A_5, %get3A_6] : memref<2000x128xf32, #tpu.memory_space<vmem>>, vector<2000x128xf32>
    %add3A = arith.addf %get3A_4, %get3A_7 : vector<2000x128xf32>
    %get3A_8 = arith.constant 0 : index
    %get3A_9 = arith.constant 0 : index
    %get3A_10 = vector.load %arg3[%get3A_8, %get3A_9] : memref<2000x128xf32, #tpu.memory_space<vmem>>, vector<2000x128xf32>
    %add3A_11 = arith.addf %add3A, %get3A_10 : vector<2000x128xf32>
    %mul3A = vector.broadcast %get3A_1 : vector<2000x1xf32> to vector<2000x128xf32>
    %mul3A_12 = arith.mulf %mul3A, %add3A_11 : vector<2000x128xf32>
    %get3A_13 = arith.constant 0 : index
    %get3A_14 = arith.constant 0 : index
    %get3A_15 = vector.load %arg5[%get3A_13, %get3A_14] : memref<1x128xf32, #tpu.memory_space<vmem>>, vector<1x128xf32>
    %add3A_16 = vector.broadcast %get3A_15 : vector<1x128xf32> to vector<2000x128xf32>
    %add3A_17 = arith.addf %mul3A_12, %add3A_16 : vector<2000x128xf32>
    %get3A_18 = arith.constant 0 : index
    %get3A_19 = arith.constant 0 : index
    %get3A_20 = vector.load %arg6[%get3A_18, %get3A_19] : memref<128x128xf32, #tpu.memory_space<vmem>>, vector<128x128xf32>
    %dot_general3A = arith.constant dense<0.000000e+00> : vector<2000x128xf32>
    %dot_general3A_21 = tpu.matmul %add3A_17, %get3A_20, %dot_general3A {dimension_numbers = #tpu.dot_dimension_numbers<[1], [0], [0], [1], [0, 0, 1, 1], [], []>, transpose_lhs_hint = false} : vector<2000x128xf32>, vector<128x128xf32>, vector<2000x128xf32> -> vector<2000x128xf32>
    %get3A_22 = arith.constant 0 : index
    %get3A_23 = arith.constant 0 : index
    %get3A_24 = vector.load %arg7[%get3A_22, %get3A_23] : memref<1x128xf32, #tpu.memory_space<vmem>>, vector<1x128xf32>
    %add3A_25 = vector.broadcast %get3A_24 : vector<1x128xf32> to vector<2000x128xf32>
    %add3A_26 = arith.addf %dot_general3A_21, %add3A_25 : vector<2000x128xf32>
    %max3A = arith.constant 0.000000e+00 : f32
    %max3A_27 = vector.broadcast %max3A : f32 to vector<2000x128xf32>
    %max3A_28 = arith.maximumf %add3A_26, %max3A_27 : vector<2000x128xf32>
    %get3A_29 = arith.constant 0 : index
    %get3A_30 = arith.constant 0 : index
    %get3A_31 = vector.load %arg8[%get3A_29, %get3A_30] : memref<128x40xf32, #tpu.memory_space<vmem>>, vector<128x40xf32>
    %dot_general3A_32 = arith.constant dense<0.000000e+00> : vector<2000x40xf32>
    %dot_general3A_33 = tpu.matmul %max3A_28, %get3A_31, %dot_general3A_32 {dimension_numbers = #tpu.dot_dimension_numbers<[1], [0], [0], [1], [0, 0, 1, 1], [], []>, transpose_lhs_hint = false} : vector<2000x128xf32>, vector<128x40xf32>, vector<2000x40xf32> -> vector<2000x40xf32>
    %get3A_34 = arith.constant 0 : index
    %get3A_35 = arith.constant 0 : index
    %get3A_36 = vector.load %arg9[%get3A_34, %get3A_35] : memref<1x40xf32, #tpu.memory_space<vmem>>, vector<1x40xf32>
    %add3A_37 = vector.broadcast %get3A_36 : vector<1x40xf32> to vector<2000x40xf32>
    %add3A_38 = arith.addf %dot_general3A_33, %add3A_37 : vector<2000x40xf32>
    %swap3A = arith.constant 0 : index
    %swap3A_39 = arith.constant 0 : index
    %swap3A_40 = vector.load %arg10[%swap3A, %swap3A_39] : memref<2000x40xf32, #tpu.memory_space<vmem>>, vector<2000x40xf32>
    tpu.vector_store %arg10[%swap3A, %swap3A_39], %add3A_38 {strides = array<i32>} : memref<2000x40xf32, #tpu.memory_space<vmem>>, vector<2000x40xf32>,
    return
  }
  func.func @transform_0(%arg0: i32) -> (i32, i32) {
    %c0_i32 = arith.constant 0 : i32
    %c0_i32_0 = arith.constant 0 : i32
    return %arg0, %c0_i32 : i32, i32
  }
  func.func @transform_1(%arg0: i32) -> (i32, i32) {
    %c0_i32 = arith.constant 0 : i32
    %c0_i32_0 = arith.constant 0 : i32
    return %arg0, %c0_i32 : i32, i32
  }
  func.func @transform_2(%arg0: i32) -> (i32, i32) {
    %c0_i32 = arith.constant 0 : i32
    %c0_i32_0 = arith.constant 0 : i32
    return %arg0, %c0_i32 : i32, i32
  }
  func.func @transform_3(%arg0: i32) -> (i32, i32) {
    %c0_i32 = arith.constant 0 : i32
    %c0_i32_0 = arith.constant 0 : i32
    return %arg0, %c0_i32 : i32, i32
  }
  func.func @transform_4(%arg0: i32) -> (i32, i32) {
    %c0_i32 = arith.constant 0 : i32
    %c0_i32_0 = arith.constant 0 : i32
    %c0_i32_1 = arith.constant 0 : i32
    return %c0_i32, %c0_i32_0 : i32, i32
  }
  func.func @transform_5(%arg0: i32) -> (i32, i32) {
    %c0_i32 = arith.constant 0 : i32
    %c0_i32_0 = arith.constant 0 : i32
    %c0_i32_1 = arith.constant 0 : i32
    return %c0_i32, %c0_i32_0 : i32, i32
  }
  func.func @transform_6(%arg0: i32) -> (i32, i32) {
    %c0_i32 = arith.constant 0 : i32
    %c0_i32_0 = arith.constant 0 : i32
    %c0_i32_1 = arith.constant 0 : i32
    return %c0_i32, %c0_i32_0 : i32, i32
  }
  func.func @transform_7(%arg0: i32) -> (i32, i32) {
    %c0_i32 = arith.constant 0 : i32
    %c0_i32_0 = arith.constant 0 : i32
    %c0_i32_1 = arith.constant 0 : i32
    return %c0_i32, %c0_i32_0 : i32, i32
  }
  func.func @transform_8(%arg0: i32) -> (i32, i32) {
    %c0_i32 = arith.constant 0 : i32
    %c0_i32_0 = arith.constant 0 : i32
    %c0_i32_1 = arith.constant 0 : i32
    return %c0_i32, %c0_i32_0 : i32, i32
  }
  func.func @transform_9(%arg0: i32) -> (i32, i32) {
    %c0_i32 = arith.constant 0 : i32
    %c0_i32_0 = arith.constant 0 : i32
    return %arg0, %c0_i32 : i32, i32
  }
}

</mosaic_0001>

<sc_bundles>
// kernel: kernel.11.cloned.1.call-start
scs
__scs_entry_jumppad:
0x0: {  	(pc) =	sbr.rel $0x88, $3  }
0x1: {  	(tag) =	ssettag $0x0;
	lr =	simm.s32 $0x1  }
0x2: {  	[smem:$0x3F8E] =	sst lr;
	_ =	strace $0xD0000000  }
0x3: {  	_ = 	snop  }
0x4: {  	_ = 	snop  }
0x5: {  	_ = 	snop  }
0x6: {  	_ = 	snop  }
0x7: {  	_ = 	snop  }
__scs_overlays_trampoline_lowered:
0x8: {  	[smem:$0x3F9D] =	sst s0  }
0x9: {  	[smem:$0x3F9E] =	sst s1  }
0xa: {  	[smem:$0x3F9F] =	sst s2  }
0xb: {  	[smem:$0x3FA0] =	sst s3  }
0xc: {  	[smem:$0x3FA1] =	sst s4  }
0xd: {  	[smem:$0x3FA2] =	sst s5  }
0xe: {  	[smem:$0x3FA3] =	sst s6  }
0xf: {  	[smem:$0x3FA4] =	sst s7  }
0x10: {  	[smem:$0x3FA5] =	sst s8  }
0x11: {  	[smem:$0x3FA6] =	sst s9;
	s0 =	simm.s32 @!p0 $0x0  }
0x12: {  	s1 =	sld [smem:$0x3F8C];
	s0 =	simm.s32 @p0 $0x1  }
0x13: {  	[smem:$0x3FA7] =	sst s0;
	s0 =	simm.s32 @!p1 $0x0  }
0x14: {  	s2 =	sld [smem:$0x3F8B];
	s0 =	simm.s32 @p1 $0x1  }
0x15: {  	[smem:$0x3FA8] =	sst s0;
	s0 =	simm.s32 @!p2 $0x0  }
0x16: {  	s3 =	sld [smem:$0x3FDB];
	s0 =	simm.s32 @p2 $0x1  }
0x17: {  	s4 =	simm.s32 $0x1BF5;
	[smem:$0x3FAA] =	sst s0  }
0x18: {  	s0 =	sld [smem:$0x3F8D];
	_ =	swait.ge [sflag:s4], $0x0  }
0x19: {  	s7 =	sld [smem:$0x3F8E]  }
0x1a: {  	s8 =	sadd.s32 $0xFFFFE003, lr  }
0x1b: {  	s9 =	sadd.s32 $0xFFFFFEF7, lr;
	s5 =	simm.s32 $0xFFFFFFFF;
	p2 =	slt.u32 s8, $0xFFFFF086  }
0x1c: {  	p1 =	slt.u32 s9, $0xF7A;
	s5 =	simm.s32 @!p2 $0x0  }
0x1d: {  	s5 =	simm.s32 @p1 $0x1;
	p0 =	seq.s32 s7, s2  }
0x1e: {  	s7 =	smul.u32 @!p0 $0xF7A, s2;
	p2 =	seq.s32 @!p0 s5, $0x0  }
0x1f: {  	s9 =	smul.u32 $0xF7A, s1;
	s8 =	simm.s32 @!p0 $0x1BF5;
	p2 =	por !p2, p0  }
0x20: {  	[sflag:s8] =	ssyncset.s32 @!p0 $0xFFFFF086;
	s6 =	sadd.s32 @!p0 s3, s7;
	s7 =	simm.s32 @!p0 $0x108  }
0x21: {  	s3 =	sadd.s32 s3, s9;
	s6 =	sadd.s32 @!p0 $0x88, s6;
	s7 =	simm.s32 @p2 $0x1082  }
0x22: {  	[simem:s7], [sflag:s8] =	dma.local @!p0 [hbm:s6], $0xF7A  }
0x23: {  	s9 =	sor.u32 $0xD0000000, s2;
	s6 =	simm.s32 $0x108;
	_ =	swait.ge @!p0 [sflag:s8], $0x0  }
0x24: {  	s3 =	sadd.s32 $0x88, s3;
	s6 =	simm.s32 @!p1 $0x1082;
	[sflag:s4] =	ssyncset.s32 $0xFFFFF086  }
0x25: {  	[simem:s6], [sflag:s4] =	dma.local [hbm:s3], $0xF7A  }
0x26: {  	[smem:$0x3F8E] =	sst s1;
	(tag) =	ssettag s2;
	_ =	strace s9  }
0x27: {  	s1 =	sld [smem:$0x3F9E]  }
0x28: {  	s2 =	sld [smem:$0x3F9F]  }
0x29: {  	s4 =	sld [smem:$0x3FA1]  }
0x2a: {  	p0 =	seq.s32 s5, $0x0;
	s5 =	sld [smem:$0x3FA2]  }
0x2b: {  	s6 =	sld [smem:$0x3FA3]  }
0x2c: {  	s7 =	sld [smem:$0x3FA4]  }
0x2d: {  	s3 =	simm.s32 $0x108;
	s8 =	sld [smem:$0x3FA5]  }
0x2e: {  	s3 =	simm.s32 @!p0 $0x1082;
	s9 =	sld [smem:$0x3FA6]  }
0x2f: {  	lr =	sadd.s32 s0, s3;
	s0 =	sld [smem:$0x3F9D]  }
0x30: {  	s3 =	sld [smem:$0x3FA0]  }
0x31: {  	[smem:$0x3FA9] =	sst s10  }
0x32: {  	s10 =	sld [smem:$0x3FA7];
	_ =	sdelay $0x3  }
0x33: {  	p0 =	seq.s32 s10, $0x1;
	s10 =	sld [smem:$0x3FA9];
	_ =	sdelay $0x3  }
0x34: {  	[smem:$0x3FA9] =	sst s10  }
0x35: {  	s10 =	sld [smem:$0x3FA8];
	_ =	sdelay $0x3  }
0x36: {  	p1 =	seq.s32 s10, $0x1;
	s10 =	sld [smem:$0x3FA9];
	_ =	sdelay $0x3  }
0x37: {  	[smem:$0x3FA9] =	sst s10  }
0x38: {  	s10 =	sld [smem:$0x3FAA]  }
0x39: {  	_ = 	snop;
	(pc) =	sbr.ind lr, $3  }
0x3a: {  	_ = 	snop  }
0x3b: {  	_ = 	snop  }
0x3c: {  	p2 =	seq.s32 s10, $0x1;
	s10 =	sld [smem:$0x3FA9]  }
0x3d: {  	_ =	shalt  }
0x3e: {  	_ =	shalt  }
0x3f: {  	_ =	shalt  }
0x40: {  	_ =	shalt  }
0x41: {  	_ =	shalt  }
0x42: {  	_ =	shalt  }
0x43: {  	_ =	shalt  }
0x44: {  	_ =	shalt  }
0x45: {  	_ =	shalt  }
0x46: {  	_ =	shalt  }
0x47: {  	_ =	shalt  }
0x48: {  	_ =	shalt  }
0x49: {  	_ =	shalt  }
0x4a: {  	_ =	shalt  }
0x4b: {  	_ =	shalt  }
0x4c: {  	_ =	shalt  }
0x4d: {  	_ =	shalt  }
0x4e: {  	_ =	shalt  }
0x4f: {  	_ =	shalt  }
0x50: {  	_ =	shalt  }
0x51: {  	_ =	shalt  }
0x52: {  	_ =	shalt  }
0x53: {  	_ =	shalt  }
0x54: {  	_ =	shalt  }
0x55: {  	_ =	shalt  }
0x56: {  	_ =	shalt  }
0x57: {  	_ =	shalt  }
0x58: {  	_ =	shalt  }
0x59: {  	_ =	shalt  }
0x5a: {  	_ =	shalt  }
0x5b: {  	_ =	shalt  }
0x5c: {  	_ =	shalt  }
0x5d: {  	_ =	shalt  }
0x5e: {  	_ =	shalt  }
0x5f: {  	_ =	shalt  }
0x60: {  	_ =	shalt  }
0x61: {  	_ =	shalt  }
0x62: {  	_ =	shalt  }
0x63: {  	_ =	shalt  }
0x64: {  	_ =	shalt  }
0x65: {  	_ =	shalt  }
0x66: {  	_ =	shalt  }
0x67: {  	_ =	shalt  }
0x68: {  	_ =	shalt  }
0x69: {  	_ =	shalt  }
0x6a: {  	_ =	shalt  }
0x6b: {  	_ =	shalt  }
0x6c: {  	_ =	shalt  }
0x6d: {  	_ =	shalt  }
0x6e: {  	_ =	shalt  }
0x6f: {  	_ =	shalt  }
0x70: {  	_ =	shalt  }
0x71: {  	_ =	shalt  }
0x72: {  	_ =	shalt  }
0x73: {  	_ =	shalt  }
0x74: {  	_ =	shalt  }
0x75: {  	_ =	shalt  }
0x76: {  	_ =	shalt  }
0x77: {  	_ =	shalt  }
0x78: {  	_ =	shalt  }
0x79: {  	_ =	shalt  }
0x7a: {  	_ =	shalt  }
0x7b: {  	_ =	shalt  }
0x7c: {  	_ =	shalt  }
0x7d: {  	_ =	shalt  }
0x7e: {  	_ =	shalt  }
0x7f: {  	_ =	shalt  }
0x80: {  	_ =	shalt  }
0x81: {  	_ =	shalt  }
0x82: {  	_ =	shalt  }
0x83: {  	_ =	shalt  }
0x84: {  	_ =	shalt  }
0x85: {  	_ =	shalt  }
0x86: {  	_ =	shalt  }
0x87: {  	_ =	shalt  }
.Lfunc_end0:
.L_simem_size_0:
called_computation.1_lowered:
.L_overlay_start_0:
0x88: {  	s2 =	sld [smem:$0x3FD9]  }
0x89: {  	s3 =	sld [smem:$0x3FFE];
	_ =	sdelay $0x1  }
0x8a: {  	s1 =	srdreg.scid  }
0x8b: {  	s0 =	sand.u32 $0x1, s1  }
0x8c: {  	s14 =	sshll.u32 s0, $0xA;
	s2 =	sadd.s32 s3, s2  }
0x8d: {  	s2 =	sadd.s32 s2, s14  }
0x8e: {  	[smem:$0x3FB5] =	sst s2  }
0x8f: {  	_ = 	snop  }
0x90: {  	s2 =	sld [smem:$0x3FD0];
	_ =	sdelay $0x2  }
0x91: {  	s15 =	simm.s32 $0xA;
	s4 =	simm.s32 $0x10  }
0x92: {  	[smem:s4], [sflag:s15] =	dma.local [hbm:s2], $0x1  }
0x93: {  	_ =	swait.eq [sflag:s15], $0x1  }
0x94: {  	[sflag:s15] =	ssyncset.done $0x0  }
0x95: {  	[sflag:s15] =	ssyncadd.s32 $0xFFFFFFFF  }
0x96: {  	s16 =	sld [smem:$0x10];
	(tm) =	ssettm $0x1  }
0x97: {  	s17 =	sld [smem:$0x3FFB];
	_ =	sdelay $0x3  }
0x98: {  	_ =	strace s17  }
0x99: {  	s3 =	sld [smem:$0x3FFC];
	_ =	sdelay $0x3  }
0x9a: {  	_ =	strace s3  }
0x9b: {  	s3 =	sld [smem:$0x3FFD];
	_ =	sdelay $0x3  }
0x9c: {  	_ =	strace s3  }
0x9d: {  	_ =	strace $0x8FFFFFFF  }
0x9e: {  	s18 =	sld [smem:$0x3FDB];
	_ =	sdelay $0x1  }
0x9f: {  	s19 =	simm.s32 $_scs_section_size  }
0xa0: {  	s5 =	simm.s32 $_size__tile_overlayer_lowered;
	s6 =	simm.s32 $_tile_overlayer_lowered  }
0xa1: {  	s22 =	simm.s32 $0x1BFF;
	s21 =	sshll.u32 s6, $0x1;
	s3 =	sadd.s32 s19, s18  }
0xa2: {  	s7 =	simm.s32 $0x0;
	s20 =	sshll.u32 s5, $0x1;
	s5 =	sadd.s32 s21, s3  }
0xa3: {  	[timem:s7], [sflag:s22] =	dma.local [hbm:s5], s20  }
0xa4: {  	_ =	swait.ge [sflag:s22], s20  }
0xa5: {  	s4 =	ssub.s32 $0x0, s20;
	[sflag:s22] =	ssyncset.done $0x0  }
0xa6: {  	[sflag:s22] =	ssyncadd.s32 s4;
	_ =	sdelay $0x1  }
0xa7: {  	s23 =	simm.s32 $0x1B8B  }
0xa8: {  	_ =	swait.ge [sflag:s23], $0x1  }
0xa9: {  	[sflag:s23] =	ssyncset.done $0x0  }
0xaa: {  	s25 =	simm.s32 $0x1B8E;
	s24 =	sld [smem:$0x3FFE];
	[sflag:s23] =	ssyncadd.s32 $0xFFFFFFFF  }
0xab: {  	s26 =	simm.s32 $execute0_lowered;
	[smem:$0x3FD2] =	sst s25  }
0xac: {  	s5 =	sshll.u32 s26, $0x1;
	_ =	strace $0x80000049;
	[dreg:$0x1] =	wrdreg $0xFFFFFFFF  }
0xad: {  	s28 =	simm.s32 $_size_execute0_lowered;
	s3 =	sadd.s32 s3, s5;
	[dreg:$0x0] =	wrdreg $0x0  }
0xae: {  	s5 =	sshll.u32 s28, $0x1;
	[dreg:$0x2] =	wrdreg s3  }
0xaf: {  	[dreg:$0x3] =	wrdreg s5  }
0xb0: {  	[dreg:$0x4] =	wrdreg $0xC0  }
0xb1: {  	_ =	task [dreg:s7], $0x5FFFF  }
0xb2: {  	[dreg:$0x1] =	wrdreg $0xFFFFFFFF  }
0xb3: {  	[dreg:$0x0] =	wrdreg $0x60  }
0xb4: {  	[dreg:$0x2] =	wrdreg s24  }
0xb5: {  	[dreg:$0x3] =	wrdreg s16  }
0xb6: {  	[dreg:$0x4] =	wrdreg $0x90000  }
0xb7: {  	[dreg:$0x5] =	wrdreg $0x9  }
0xb8: {  	_ =	task.clear_ibuf [dreg:s7], $0x6FFFF;
	_ =	strace $0x90000049  }
0xb9: {  	s29 =	simm.s32 $0x9;
	_ =	strace $0x8000004B  }
0xba: {  	_ =	swait.ge [sflag:s29], $0x1  }
0xbb: {  	[sflag:s29] =	ssyncadd.s32 $0xFFFFFFFF  }
0xbc: {  	_ =	strace $0x9000004B  }
0xbd: {  	_ =	sfence  }
0xbe: {  	s30 =	sld [smem:$0x0];
	_ =	sdelay $0x2  }
0xbf: {  	s31 =	sshll.u32 s1, $0xD;
	s1 =	sshrl.u32 s1, $0x2  }
0xc0: {  	s3 =	sand.u32 $0x4000, s31;
	s1 =	sadd.s32 s1, s30  }
0xc1: {  	s0 =	sor.u32 s3, s0;
	s1 =	sshll.u32 s1, $0x11  }
0xc2: {  	s0 =	sor.u32 s1, s0  }
0xc3: {  	s0 =	sadd.s32 $0x8F2B, s0  }
0xc4: {  	[sflag:s0] =	ssyncadd.remote.s32 $0x1  }
0xc5: {  	_ =	sfence.sel $0xFFFF  }
0xc6: {  	[dreg:$0x0] =	wrdreg $0xFFFFFFFF;
	(pc) =	sbr.abs _section_cstart, $3  }
0xc7: {  	[dreg:$0x1] =	wrdreg $0xFFFFFFFF  }
0xc8: {  	_ =	task.clear_ibuf [dreg:s7], $0x2FFFF;
	_ =	strace $0x9FFFFFFF  }
0xc9: {  	(tm) =	ssettm $0x7FFFFFFF  }
tec
execute0_lowered:
.L_overlay_start_1:
0x0: {  	(tag) =	ssettag $0x1  }
0x1: {  	s5 =	rddreg [dreg:$0x0]  }
0x2: {  	s1 =	srdreg.scid;
	s8 =	rddreg [dreg:$0x1]  }
0x3: {  	s0 =	stileid.u32;
	s2 =	rddreg [dreg:$0x2];
	s3 =	simm.s32 $0x0  }
0x4: {  	s16 =	simm.s32 $0x1;
	s17 =	simm.s32 $0x0;
	s6 =	sand.u32 $0x1, s1  }
0x5: {  	s28 =	sshll.u32 s0, $0x1;
	s1 =	rddreg [dreg:$0x3];
	s7 =	smul.u32 $0x13C00, s0  }
0x6: {  	[smem:$0x7FF] =	sst s3;
	s29 =	smul.u32 $0x4F000, s0;
	s31 =	sshll.u32 s0, $0x6  }
0x7: {  	s4 =	sor.u32 s6, s28;
	_ =	strace $0x8000004A;
	s10 =	smul.u32 $0x13C000, s6  }
0x8: {  	s6 =	ssub.s32 $0x2, s6;
	s9 =	smul.u32 $0x500, s4;
	s4 =	sadd.s32 $0xEC00, s5  }
0x9: {  	s12 =	sshrl.u32 s7, $0x3;
	s13 =	sshrl.u32 s6, $0x1;
	s30 =	sshrl.u32 s29, $0x2  }
0xa: {  	s7 =	sadd.s32 s7, s10;
	s12 =	sadd.s32 s12, s5;
	s13 =	ssub.s32 s6, s13  }
0xb: {  	s15 =	sadd.s32 s30, s2;
	s6 =	sor.u32 $0x1C02, s31;
	s11 =	sadd.s32 s9, s5  }
0xc: {  	s7 =	sshrl.u32 s7, $0x3;
	s8 =	sadd.s32 s8, s9;
	s10 =	smax.u32 s13, $0x1  }
0xd: {  	s13 =	simm.s32 $0x2800;
	s14 =	sadd.s32 s7, s5;
	s5 =	sadd.s32 $0x35E00, s12  }
0xe: {  	s7 =	sadd.s32 $0x4C00, s11;
	s11 =	sshrl.u32 s15, $0x3;
	s12 =	simm.s32 $0x2  }
0xf: {  	s15 =	simm.s32 $0x5000;
	s9 =	sadd.s32 $0x5D600, s14;
	s14 =	simm.s32 $0x80  }
.LBB2_1:
0x10: {  	[spmem:s11], [sflag:s6] =	dma.local [hbm:s5], $0x2780  }
0x11: {  	_ =	swait.ge [sflag:s12], $0x2780  }
0x12: {  	[sflag:s12] =	ssyncset.done $0x0  }
0x13: {  	[sflag:s12] =	ssyncadd.s32 $0xFFFFD880  }
0x14: {  	[tilespmem:s3], [sflag:$0x2] =	stream.linear.gather [hbm4b:s7+s3], $0x2800, $0x38;
	[tilespmem:$0x1CC00] =	vst v63  }
0x15: {  	_ =	swait.ge [sflag:s12], $0x2800  }
0x16: {  	[sflag:s12] =	ssyncset.done $0x0  }
0x17: {  	[sflag:s12] =	ssyncadd.s32 $0xFFFFD800  }
0x18: {  	[tilespmem:s13], [sflag:$0x2] =	stream.linear.gather [hbm4b:s8+s3], $0x2800, $0x38;
	[tilespmem:$0x1CC00] =	vst v63  }
0x19: {  	_ =	swait.ge [sflag:s12], $0x2800  }
0x1a: {  	[sflag:s12] =	ssyncset.done $0x0  }
0x1b: {  	[sflag:s12] =	ssyncadd.s32 $0xFFFFD800  }
0x1c: {  	s18 =	simm.s32 $0x0;
	[bflag:$0x0] =	sbarrier.arrive $0xFFFF  }
0x1d: {  	[tilespmem:s15], [sflag:$0x1] =	stream.indirect.gather [hbm4b:s4+s14], $0x80, s18, s14, $0xb8;
	[tilespmem:$0x1CC00] =	vst v63  }
0x1e: {  	_ =	swait.ge [sflag:s16], $0x4000  }
0x1f: {  	[sflag:s16] =	ssyncset.done $0x0  }
0x20: {  	s31 =	simm.s32 $0x2800;
	[sflag:s16] =	ssyncadd.s32 $0xFFFFC000  }
0x21: {  	[spmem:s2] =	stream.indirect.scatter.add.f32 [tilespmem:s15], [sflag:$0x2], $0x80, s31, s14, $0xb8;
	[tilespmem:$0x1CC00] =	vst v63  }
0x22: {  	_ =	swait.ge [sflag:s12], $0x4000  }
0x23: {  	s19 =	simm.s32 $0x400;
	s18 =	simm.s32 $0x200;
	[sflag:s12] =	ssyncset.done $0x0  }
.LBB2_2:
0x24: {  	s20 =	sshra.s32 s18, $0x2  }
0x25: {  	[sflag:s12] =	ssyncadd.s32 $0xFFFFC000;
	s18 =	smov.u32 s19;
	s21 =	sadd.s32 $0x200, s19  }
0x26: {  	[tilespmem:s15], [sflag:$0x1] =	stream.indirect.gather [hbm4b:s4+s14], $0x80, s20, s14, $0xb8;
	[tilespmem:$0x1CC00] =	vst v63  }
0x27: {  	p0 =	sne.s32 s19, $0x9E00;
	_ =	swait.ge [sflag:s16], $0x4000  }
.Ltmp0:
0x28: {  	[sflag:s16] =	ssyncset.done $0x0;
	(pc) =	sbr.rel @p0 .LBB2_2-.Ltmp0, $4  }
0x29: {  	s19 =	sadd.s32 $0x2800, s20;
	[sflag:s16] =	ssyncadd.s32 $0xFFFFC000  }
0x2a: {  	[spmem:s2] =	stream.indirect.scatter.add.f32 [tilespmem:s15], [sflag:$0x2], $0x80, s19, s14, $0xb8;
	[tilespmem:$0x1CC00] =	vst v63  }
0x2b: {  	_ =	swait.ge [sflag:s12], $0x4000  }
0x2c: {  	s19 =	smov.u32 s21;
	[sflag:s12] =	ssyncset.done $0x0  }
0x2d: {  	s18 =	sshra.s32 s18, $0x2;
	[sflag:s12] =	ssyncadd.s32 $0xFFFFC000  }
0x2e: {  	[tilespmem:s15], [sflag:$0x1] =	stream.indirect.gather [hbm4b:s4+s14], $0x80, s18, s14, $0xb8;
	[tilespmem:$0x1CC00] =	vst v63  }
0x2f: {  	_ =	swait.ge [sflag:s16], $0x4000  }
0x30: {  	[sflag:s16] =	ssyncset.done $0x0  }
0x31: {  	s18 =	sadd.s32 $0x2800, s18;
	[sflag:s16] =	ssyncadd.s32 $0xFFFFC000  }
0x32: {  	[spmem:s2] =	stream.indirect.scatter.add.f32 [tilespmem:s15], [sflag:$0x2], $0x80, s18, s14, $0xb8;
	[tilespmem:$0x1CC00] =	vst v63  }
0x33: {  	_ =	swait.ge [sflag:s12], $0x4000  }
0x34: {  	s17 =	sadd.s32 $0x1, s17;
	[sflag:s12] =	ssyncset.done $0x0  }
0x35: {  	p0 =	sne.s32 s17, s10;
	[sflag:s12] =	ssyncadd.s32 $0xFFFFC000  }
.Ltmp1:
0x36: {  	[bflag:$0x0] =	sbarrier.arrive $0xFFFF;
	(pc) =	sbr.rel @p0 .LBB2_1-.Ltmp1, $4  }
0x37: {  	[hbm:s9], [sflag:s6] =	dma.local [spmem:s11], $0x2780  }
0x38: {  	_ =	swait.ge [sflag:s12], $0x2780  }
0x39: {  	[sflag:s12] =	ssyncset.done $0x0  }
0x3a: {  	[sflag:s12] =	ssyncadd.s32 $0xFFFFD880  }
0x3b: {  	_ =	sfence.sel $0x180000  }
0x3c: {  	[bflag:$0x0] =	sbarrier.arrive $0xFFFF  }
0x3d: {  	p0 =	sne.s32 s0, $0x0;
	_ =	strace $0x9000004A  }
0x3e: {  	s0 =	sadd.s32 @!p0 $0x100000, s1;
	[bflag:$0x2] =	sbarrier.arrive $0xFFFF  }
0x3f: {  	[sflag:s0] =	ssyncadd.tile.s32 @!p0 $0x1;
	_ =	shalt  }
.Lfunc_end2:
_tile_overlayer_lowered:
.L_overlay_start_2:
0x40: {  	(tag) =	ssettag $0x2  }
0x41: {  	s0 =	rddreg [dreg:$0x0];
	s2 =	stileid.u32  }
0x42: {  	s1 =	rddreg [dreg:$0x1];
	p0 =	sne.s32 s2, $0x0  }
0x43: {  	s3 =	rddreg [dreg:$0x2];
	[bflag:$0x3] =	sbarrier.arrive $0xFFFF;
	s2 =	simm.s32 @!p0 $0x1C02  }
0x44: {  	[timem:s3], [sflag:s2] =	dma.local @!p0 [hbm:s0], s1  }
0x45: {  	s0 =	simm.s32 @!p0 $0x2  }
0x46: {  	_ =	swait.ge @!p0 [sflag:s0], s1  }
0x47: {  	s1 =	ssub.s32 @!p0 $0x0, s1;
	[sflag:s0] =	ssyncset.done @!p0 $0x0  }
0x48: {  	[sflag:s0] =	ssyncadd.s32 @!p0 s1  }
0x49: {  	[bflag:$0x3] =	sbarrier.arrive $0xFFFF  }
0x4a: {  	_ =	shalt  }

// kernel: kernel.14.cloned.1.call-start
scs
__scs_entry_jumppad:
0x0: {  	(pc) =	sbr.rel $0x88, $3  }
0x1: {  	(tag) =	ssettag $0x0;
	lr =	simm.s32 $0x1  }
0x2: {  	[smem:$0x3F8E] =	sst lr;
	_ =	strace $0xD0000000  }
0x3: {  	_ = 	snop  }
0x4: {  	_ = 	snop  }
0x5: {  	_ = 	snop  }
0x6: {  	_ = 	snop  }
0x7: {  	_ = 	snop  }
__scs_overlays_trampoline_lowered:
0x8: {  	[smem:$0x3F9D] =	sst s0  }
0x9: {  	[smem:$0x3F9E] =	sst s1  }
0xa: {  	[smem:$0x3F9F] =	sst s2  }
0xb: {  	[smem:$0x3FA0] =	sst s3  }
0xc: {  	[smem:$0x3FA1] =	sst s4  }
0xd: {  	[smem:$0x3FA2] =	sst s5  }
0xe: {  	[smem:$0x3FA3] =	sst s6  }
0xf: {  	[smem:$0x3FA4] =	sst s7  }
0x10: {  	[smem:$0x3FA5] =	sst s8  }
0x11: {  	[smem:$0x3FA6] =	sst s9;
	s0 =	simm.s32 @!p0 $0x0  }
0x12: {  	s1 =	sld [smem:$0x3F8C];
	s0 =	simm.s32 @p0 $0x1  }
0x13: {  	[smem:$0x3FA7] =	sst s0;
	s0 =	simm.s32 @!p1 $0x0  }
0x14: {  	s2 =	sld [smem:$0x3F8B];
	s0 =	simm.s32 @p1 $0x1  }
0x15: {  	[smem:$0x3FA8] =	sst s0;
	s0 =	simm.s32 @!p2 $0x0  }
0x16: {  	s3 =	sld [smem:$0x3FDB];
	s0 =	simm.s32 @p2 $0x1  }
0x17: {  	s4 =	simm.s32 $0x1BF5;
	[smem:$0x3FAA] =	sst s0  }
0x18: {  	s0 =	sld [smem:$0x3F8D];
	_ =	swait.ge [sflag:s4], $0x0  }
0x19: {  	s7 =	sld [smem:$0x3F8E]  }
0x1a: {  	s8 =	sadd.s32 $0xFFFFE003, lr  }
0x1b: {  	s9 =	sadd.s32 $0xFFFFFEF7, lr;
	s5 =	simm.s32 $0xFFFFFFFF;
	p2 =	slt.u32 s8, $0xFFFFF086  }
0x1c: {  	p1 =	slt.u32 s9, $0xF7A;
	s5 =	simm.s32 @!p2 $0x0  }
0x1d: {  	s5 =	simm.s32 @p1 $0x1;
	p0 =	seq.s32 s7, s2  }
0x1e: {  	s7 =	smul.u32 @!p0 $0xF7A, s2;
	p2 =	seq.s32 @!p0 s5, $0x0  }
0x1f: {  	s9 =	smul.u32 $0xF7A, s1;
	s8 =	simm.s32 @!p0 $0x1BF5;
	p2 =	por !p2, p0  }
0x20: {  	[sflag:s8] =	ssyncset.s32 @!p0 $0xFFFFF086;
	s6 =	sadd.s32 @!p0 s3, s7;
	s7 =	simm.s32 @!p0 $0x108  }
0x21: {  	s3 =	sadd.s32 s3, s9;
	s6 =	sadd.s32 @!p0 $0x88, s6;
	s7 =	simm.s32 @p2 $0x1082  }
0x22: {  	[simem:s7], [sflag:s8] =	dma.local @!p0 [hbm:s6], $0xF7A  }
0x23: {  	s9 =	sor.u32 $0xD0000000, s2;
	s6 =	simm.s32 $0x108;
	_ =	swait.ge @!p0 [sflag:s8], $0x0  }
0x24: {  	s3 =	sadd.s32 $0x88, s3;
	s6 =	simm.s32 @!p1 $0x1082;
	[sflag:s4] =	ssyncset.s32 $0xFFFFF086  }
0x25: {  	[simem:s6], [sflag:s4] =	dma.local [hbm:s3], $0xF7A  }
0x26: {  	[smem:$0x3F8E] =	sst s1;
	(tag) =	ssettag s2;
	_ =	strace s9  }
0x27: {  	s1 =	sld [smem:$0x3F9E]  }
0x28: {  	s2 =	sld [smem:$0x3F9F]  }
0x29: {  	s4 =	sld [smem:$0x3FA1]  }
0x2a: {  	p0 =	seq.s32 s5, $0x0;
	s5 =	sld [smem:$0x3FA2]  }
0x2b: {  	s6 =	sld [smem:$0x3FA3]  }
0x2c: {  	s7 =	sld [smem:$0x3FA4]  }
0x2d: {  	s3 =	simm.s32 $0x108;
	s8 =	sld [smem:$0x3FA5]  }
0x2e: {  	s3 =	simm.s32 @!p0 $0x1082;
	s9 =	sld [smem:$0x3FA6]  }
0x2f: {  	lr =	sadd.s32 s0, s3;
	s0 =	sld [smem:$0x3F9D]  }
0x30: {  	s3 =	sld [smem:$0x3FA0]  }
0x31: {  	[smem:$0x3FA9] =	sst s10  }
0x32: {  	s10 =	sld [smem:$0x3FA7];
	_ =	sdelay $0x3  }
0x33: {  	p0 =	seq.s32 s10, $0x1;
	s10 =	sld [smem:$0x3FA9];
	_ =	sdelay $0x3  }
0x34: {  	[smem:$0x3FA9] =	sst s10  }
0x35: {  	s10 =	sld [smem:$0x3FA8];
	_ =	sdelay $0x3  }
0x36: {  	p1 =	seq.s32 s10, $0x1;
	s10 =	sld [smem:$0x3FA9];
	_ =	sdelay $0x3  }
0x37: {  	[smem:$0x3FA9] =	sst s10  }
0x38: {  	s10 =	sld [smem:$0x3FAA]  }
0x39: {  	_ = 	snop;
	(pc) =	sbr.ind lr, $3  }
0x3a: {  	_ = 	snop  }
0x3b: {  	_ = 	snop  }
0x3c: {  	p2 =	seq.s32 s10, $0x1;
	s10 =	sld [smem:$0x3FA9]  }
0x3d: {  	_ =	shalt  }
0x3e: {  	_ =	shalt  }
0x3f: {  	_ =	shalt  }
0x40: {  	_ =	shalt  }
0x41: {  	_ =	shalt  }
0x42: {  	_ =	shalt  }
0x43: {  	_ =	shalt  }
0x44: {  	_ =	shalt  }
0x45: {  	_ =	shalt  }
0x46: {  	_ =	shalt  }
0x47: {  	_ =	shalt  }
0x48: {  	_ =	shalt  }
0x49: {  	_ =	shalt  }
0x4a: {  	_ =	shalt  }
0x4b: {  	_ =	shalt  }
0x4c: {  	_ =	shalt  }
0x4d: {  	_ =	shalt  }
0x4e: {  	_ =	shalt  }
0x4f: {  	_ =	shalt  }
0x50: {  	_ =	shalt  }
0x51: {  	_ =	shalt  }
0x52: {  	_ =	shalt  }
0x53: {  	_ =	shalt  }
0x54: {  	_ =	shalt  }
0x55: {  	_ =	shalt  }
0x56: {  	_ =	shalt  }
0x57: {  	_ =	shalt  }
0x58: {  	_ =	shalt  }
0x59: {  	_ =	shalt  }
0x5a: {  	_ =	shalt  }
0x5b: {  	_ =	shalt  }
0x5c: {  	_ =	shalt  }
0x5d: {  	_ =	shalt  }
0x5e: {  	_ =	shalt  }
0x5f: {  	_ =	shalt  }
0x60: {  	_ =	shalt  }
0x61: {  	_ =	shalt  }
0x62: {  	_ =	shalt  }
0x63: {  	_ =	shalt  }
0x64: {  	_ =	shalt  }
0x65: {  	_ =	shalt  }
0x66: {  	_ =	shalt  }
0x67: {  	_ =	shalt  }
0x68: {  	_ =	shalt  }
0x69: {  	_ =	shalt  }
0x6a: {  	_ =	shalt  }
0x6b: {  	_ =	shalt  }
0x6c: {  	_ =	shalt  }
0x6d: {  	_ =	shalt  }
0x6e: {  	_ =	shalt  }
0x6f: {  	_ =	shalt  }
0x70: {  	_ =	shalt  }
0x71: {  	_ =	shalt  }
0x72: {  	_ =	shalt  }
0x73: {  	_ =	shalt  }
0x74: {  	_ =	shalt  }
0x75: {  	_ =	shalt  }
0x76: {  	_ =	shalt  }
0x77: {  	_ =	shalt  }
0x78: {  	_ =	shalt  }
0x79: {  	_ =	shalt  }
0x7a: {  	_ =	shalt  }
0x7b: {  	_ =	shalt  }
0x7c: {  	_ =	shalt  }
0x7d: {  	_ =	shalt  }
0x7e: {  	_ =	shalt  }
0x7f: {  	_ =	shalt  }
0x80: {  	_ =	shalt  }
0x81: {  	_ =	shalt  }
0x82: {  	_ =	shalt  }
0x83: {  	_ =	shalt  }
0x84: {  	_ =	shalt  }
0x85: {  	_ =	shalt  }
0x86: {  	_ =	shalt  }
0x87: {  	_ =	shalt  }
.Lfunc_end0:
.L_simem_size_0:
called_computation.2_lowered:
.L_overlay_start_0:
0x88: {  	s2 =	sld [smem:$0x3FD9]  }
0x89: {  	s3 =	sld [smem:$0x3FFE];
	_ =	sdelay $0x1  }
0x8a: {  	s1 =	srdreg.scid  }
0x8b: {  	s0 =	sand.u32 $0x1, s1  }
0x8c: {  	s14 =	sshll.u32 s0, $0xA;
	s2 =	sadd.s32 s3, s2  }
0x8d: {  	s2 =	sadd.s32 s2, s14  }
0x8e: {  	[smem:$0x3FB5] =	sst s2  }
0x8f: {  	_ = 	snop  }
0x90: {  	s2 =	sld [smem:$0x3FD0];
	_ =	sdelay $0x2  }
0x91: {  	s15 =	simm.s32 $0xA;
	s4 =	simm.s32 $0x10  }
0x92: {  	[smem:s4], [sflag:s15] =	dma.local [hbm:s2], $0x1  }
0x93: {  	_ =	swait.eq [sflag:s15], $0x1  }
0x94: {  	[sflag:s15] =	ssyncset.done $0x0  }
0x95: {  	[sflag:s15] =	ssyncadd.s32 $0xFFFFFFFF  }
0x96: {  	s16 =	sld [smem:$0x10];
	(tm) =	ssettm $0x1  }
0x97: {  	s17 =	sld [smem:$0x3FFB];
	_ =	sdelay $0x3  }
0x98: {  	_ =	strace s17  }
0x99: {  	s3 =	sld [smem:$0x3FFC];
	_ =	sdelay $0x3  }
0x9a: {  	_ =	strace s3  }
0x9b: {  	s3 =	sld [smem:$0x3FFD];
	_ =	sdelay $0x3  }
0x9c: {  	_ =	strace s3  }
0x9d: {  	_ =	strace $0x8FFFFFFF  }
0x9e: {  	s18 =	sld [smem:$0x3FDB];
	_ =	sdelay $0x1  }
0x9f: {  	s19 =	simm.s32 $_scs_section_size  }
0xa0: {  	s5 =	simm.s32 $_size__tile_overlayer_lowered;
	s6 =	simm.s32 $_tile_overlayer_lowered  }
0xa1: {  	s22 =	simm.s32 $0x1BFF;
	s21 =	sshll.u32 s6, $0x1;
	s3 =	sadd.s32 s19, s18  }
0xa2: {  	s7 =	simm.s32 $0x0;
	s20 =	sshll.u32 s5, $0x1;
	s5 =	sadd.s32 s21, s3  }
0xa3: {  	[timem:s7], [sflag:s22] =	dma.local [hbm:s5], s20  }
0xa4: {  	_ =	swait.ge [sflag:s22], s20  }
0xa5: {  	s4 =	ssub.s32 $0x0, s20;
	[sflag:s22] =	ssyncset.done $0x0  }
0xa6: {  	[sflag:s22] =	ssyncadd.s32 s4;
	_ =	sdelay $0x1  }
0xa7: {  	s23 =	simm.s32 $0x1B8B  }
0xa8: {  	_ =	swait.ge [sflag:s23], $0x1  }
0xa9: {  	[sflag:s23] =	ssyncset.done $0x0  }
0xaa: {  	s25 =	simm.s32 $0x1B8E;
	s24 =	sld [smem:$0x3FFE];
	[sflag:s23] =	ssyncadd.s32 $0xFFFFFFFF  }
0xab: {  	s26 =	simm.s32 $execute0_lowered;
	[smem:$0x3FD2] =	sst s25  }
0xac: {  	s5 =	sshll.u32 s26, $0x1;
	_ =	strace $0x8000004C;
	[dreg:$0x1] =	wrdreg $0xFFFFFFFF  }
0xad: {  	s28 =	simm.s32 $_size_execute0_lowered;
	s3 =	sadd.s32 s3, s5;
	[dreg:$0x0] =	wrdreg $0x0  }
0xae: {  	s5 =	sshll.u32 s28, $0x1;
	[dreg:$0x2] =	wrdreg s3  }
0xaf: {  	[dreg:$0x3] =	wrdreg s5  }
0xb0: {  	[dreg:$0x4] =	wrdreg $0xC0  }
0xb1: {  	_ =	task [dreg:s7], $0x5FFFF  }
0xb2: {  	[dreg:$0x1] =	wrdreg $0xFFFFFFFF  }
0xb3: {  	[dreg:$0x0] =	wrdreg $0x60  }
0xb4: {  	[dreg:$0x2] =	wrdreg s24  }
0xb5: {  	[dreg:$0x3] =	wrdreg s16  }
0xb6: {  	[dreg:$0x4] =	wrdreg $0x90000  }
0xb7: {  	[dreg:$0x5] =	wrdreg $0x9  }
0xb8: {  	_ =	task.clear_ibuf [dreg:s7], $0x6FFFF;
	_ =	strace $0x9000004C  }
0xb9: {  	s29 =	simm.s32 $0x9;
	_ =	strace $0x8000004E  }
0xba: {  	_ =	swait.ge [sflag:s29], $0x1  }
0xbb: {  	[sflag:s29] =	ssyncadd.s32 $0xFFFFFFFF  }
0xbc: {  	_ =	strace $0x9000004E  }
0xbd: {  	_ =	sfence  }
0xbe: {  	s30 =	sld [smem:$0x0];
	_ =	sdelay $0x2  }
0xbf: {  	s31 =	sshll.u32 s1, $0xD;
	s1 =	sshrl.u32 s1, $0x2  }
0xc0: {  	s3 =	sand.u32 $0x4000, s31;
	s1 =	sadd.s32 s1, s30  }
0xc1: {  	s0 =	sor.u32 s3, s0;
	s1 =	sshll.u32 s1, $0x11  }
0xc2: {  	s0 =	sor.u32 s1, s0  }
0xc3: {  	s0 =	sadd.s32 $0x8F2B, s0  }
0xc4: {  	[sflag:s0] =	ssyncadd.remote.s32 $0x1  }
0xc5: {  	_ =	sfence.sel $0xFFFF  }
0xc6: {  	[dreg:$0x0] =	wrdreg $0xFFFFFFFF;
	(pc) =	sbr.abs _section_cstart, $3  }
0xc7: {  	[dreg:$0x1] =	wrdreg $0xFFFFFFFF  }
0xc8: {  	_ =	task.clear_ibuf [dreg:s7], $0x2FFFF;
	_ =	strace $0x9FFFFFFF  }
0xc9: {  	(tm) =	ssettm $0x7FFFFFFF  }
tec
execute0_lowered:
.L_overlay_start_1:
0x0: {  	(tag) =	ssettag $0x1  }
0x1: {  	s5 =	rddreg [dreg:$0x0]  }
0x2: {  	s1 =	srdreg.scid;
	s8 =	rddreg [dreg:$0x1]  }
0x3: {  	s0 =	stileid.u32;
	s2 =	rddreg [dreg:$0x2];
	s3 =	simm.s32 $0x0  }
0x4: {  	s16 =	simm.s32 $0x1;
	s17 =	simm.s32 $0x0;
	s6 =	sand.u32 $0x1, s1  }
0x5: {  	s28 =	sshll.u32 s0, $0x1;
	s1 =	rddreg [dreg:$0x3];
	s7 =	smul.u32 $0x13C00, s0  }
0x6: {  	[smem:$0x7FF] =	sst s3;
	s29 =	smul.u32 $0x4F000, s0;
	s31 =	sshll.u32 s0, $0x6  }
0x7: {  	s4 =	sor.u32 s6, s28;
	_ =	strace $0x8000004D;
	s10 =	smul.u32 $0x13C000, s6  }
0x8: {  	s6 =	ssub.s32 $0x2, s6;
	s9 =	smul.u32 $0x500, s4;
	s4 =	sadd.s32 $0xEC00, s5  }
0x9: {  	s12 =	sshrl.u32 s7, $0x3;
	s13 =	sshrl.u32 s6, $0x1;
	s30 =	sshrl.u32 s29, $0x2  }
0xa: {  	s7 =	sadd.s32 s7, s10;
	s12 =	sadd.s32 s12, s5;
	s13 =	ssub.s32 s6, s13  }
0xb: {  	s15 =	sadd.s32 s30, s2;
	s6 =	sor.u32 $0x1C02, s31;
	s11 =	sadd.s32 s9, s5  }
0xc: {  	s7 =	sshrl.u32 s7, $0x3;
	s8 =	sadd.s32 s8, s9;
	s10 =	smax.u32 s13, $0x1  }
0xd: {  	s13 =	simm.s32 $0x2800;
	s14 =	sadd.s32 s7, s5;
	s5 =	sadd.s32 $0x35E00, s12  }
0xe: {  	s7 =	sadd.s32 $0x4C00, s11;
	s11 =	sshrl.u32 s15, $0x3;
	s12 =	simm.s32 $0x2  }
0xf: {  	s15 =	simm.s32 $0x5000;
	s9 =	sadd.s32 $0x5D600, s14;
	s14 =	simm.s32 $0x80  }
.LBB2_1:
0x10: {  	[spmem:s11], [sflag:s6] =	dma.local [hbm:s5], $0x2780  }
0x11: {  	_ =	swait.ge [sflag:s12], $0x2780  }
0x12: {  	[sflag:s12] =	ssyncset.done $0x0  }
0x13: {  	[sflag:s12] =	ssyncadd.s32 $0xFFFFD880  }
0x14: {  	[tilespmem:s3], [sflag:$0x2] =	stream.linear.gather [hbm4b:s7+s3], $0x2800, $0x38;
	[tilespmem:$0x1CC00] =	vst v63  }
0x15: {  	_ =	swait.ge [sflag:s12], $0x2800  }
0x16: {  	[sflag:s12] =	ssyncset.done $0x0  }
0x17: {  	[sflag:s12] =	ssyncadd.s32 $0xFFFFD800  }
0x18: {  	[tilespmem:s13], [sflag:$0x2] =	stream.linear.gather [hbm4b:s8+s3], $0x2800, $0x38;
	[tilespmem:$0x1CC00] =	vst v63  }
0x19: {  	_ =	swait.ge [sflag:s12], $0x2800  }
0x1a: {  	[sflag:s12] =	ssyncset.done $0x0  }
0x1b: {  	[sflag:s12] =	ssyncadd.s32 $0xFFFFD800  }
0x1c: {  	s18 =	simm.s32 $0x0;
	[bflag:$0x0] =	sbarrier.arrive $0xFFFF  }
0x1d: {  	[tilespmem:s15], [sflag:$0x1] =	stream.indirect.gather [hbm4b:s4+s14], $0x80, s18, s14, $0xb8;
	[tilespmem:$0x1CC00] =	vst v63  }
0x1e: {  	_ =	swait.ge [sflag:s16], $0x4000  }
0x1f: {  	[sflag:s16] =	ssyncset.done $0x0  }
0x20: {  	s31 =	simm.s32 $0x2800;
	[sflag:s16] =	ssyncadd.s32 $0xFFFFC000  }
0x21: {  	[spmem:s2] =	stream.indirect.scatter.add.f32 [tilespmem:s15], [sflag:$0x2], $0x80, s31, s14, $0xb8;
	[tilespmem:$0x1CC00] =	vst v63  }
0x22: {  	_ =	swait.ge [sflag:s12], $0x4000  }
0x23: {  	s19 =	simm.s32 $0x400;
	s18 =	simm.s32 $0x200;
	[sflag:s12] =	ssyncset.done $0x0  }
.LBB2_2:
0x24: {  	s20 =	sshra.s32 s18, $0x2  }
0x25: {  	[sflag:s12] =	ssyncadd.s32 $0xFFFFC000;
	s18 =	smov.u32 s19;
	s21 =	sadd.s32 $0x200, s19  }
0x26: {  	[tilespmem:s15], [sflag:$0x1] =	stream.indirect.gather [hbm4b:s4+s14], $0x80, s20, s14, $0xb8;
	[tilespmem:$0x1CC00] =	vst v63  }
0x27: {  	p0 =	sne.s32 s19, $0x9E00;
	_ =	swait.ge [sflag:s16], $0x4000  }
.Ltmp0:
0x28: {  	[sflag:s16] =	ssyncset.done $0x0;
	(pc) =	sbr.rel @p0 .LBB2_2-.Ltmp0, $4  }
0x29: {  	s19 =	sadd.s32 $0x2800, s20;
	[sflag:s16] =	ssyncadd.s32 $0xFFFFC000  }
0x2a: {  	[spmem:s2] =	stream.indirect.scatter.add.f32 [tilespmem:s15], [sflag:$0x2], $0x80, s19, s14, $0xb8;
	[tilespmem:$0x1CC00] =	vst v63  }
0x2b: {  	_ =	swait.ge [sflag:s12], $0x4000  }
0x2c: {  	s19 =	smov.u32 s21;
	[sflag:s12] =	ssyncset.done $0x0  }
0x2d: {  	s18 =	sshra.s32 s18, $0x2;
	[sflag:s12] =	ssyncadd.s32 $0xFFFFC000  }
0x2e: {  	[tilespmem:s15], [sflag:$0x1] =	stream.indirect.gather [hbm4b:s4+s14], $0x80, s18, s14, $0xb8;
	[tilespmem:$0x1CC00] =	vst v63  }
0x2f: {  	_ =	swait.ge [sflag:s16], $0x4000  }
0x30: {  	[sflag:s16] =	ssyncset.done $0x0  }
0x31: {  	s18 =	sadd.s32 $0x2800, s18;
	[sflag:s16] =	ssyncadd.s32 $0xFFFFC000  }
0x32: {  	[spmem:s2] =	stream.indirect.scatter.add.f32 [tilespmem:s15], [sflag:$0x2], $0x80, s18, s14, $0xb8;
	[tilespmem:$0x1CC00] =	vst v63  }
0x33: {  	_ =	swait.ge [sflag:s12], $0x4000  }
0x34: {  	s17 =	sadd.s32 $0x1, s17;
	[sflag:s12] =	ssyncset.done $0x0  }
0x35: {  	p0 =	sne.s32 s17, s10;
	[sflag:s12] =	ssyncadd.s32 $0xFFFFC000  }
.Ltmp1:
0x36: {  	[bflag:$0x0] =	sbarrier.arrive $0xFFFF;
	(pc) =	sbr.rel @p0 .LBB2_1-.Ltmp1, $4  }
0x37: {  	[hbm:s9], [sflag:s6] =	dma.local [spmem:s11], $0x2780  }
0x38: {  	_ =	swait.ge [sflag:s12], $0x2780  }
0x39: {  	[sflag:s12] =	ssyncset.done $0x0  }
0x3a: {  	[sflag:s12] =	ssyncadd.s32 $0xFFFFD880  }
0x3b: {  	_ =	sfence.sel $0x180000  }
0x3c: {  	[bflag:$0x0] =	sbarrier.arrive $0xFFFF  }
0x3d: {  	p0 =	sne.s32 s0, $0x0;
	_ =	strace $0x9000004D  }
0x3e: {  	s0 =	sadd.s32 @!p0 $0x100000, s1;
	[bflag:$0x2] =	sbarrier.arrive $0xFFFF  }
0x3f: {  	[sflag:s0] =	ssyncadd.tile.s32 @!p0 $0x1;
	_ =	shalt  }
.Lfunc_end2:
_tile_overlayer_lowered:
.L_overlay_start_2:
0x40: {  	(tag) =	ssettag $0x2  }
0x41: {  	s0 =	rddreg [dreg:$0x0];
	s2 =	stileid.u32  }
0x42: {  	s1 =	rddreg [dreg:$0x1];
	p0 =	sne.s32 s2, $0x0  }
0x43: {  	s3 =	rddreg [dreg:$0x2];
	[bflag:$0x3] =	sbarrier.arrive $0xFFFF;
	s2 =	simm.s32 @!p0 $0x1C02  }
0x44: {  	[timem:s3], [sflag:s2] =	dma.local @!p0 [hbm:s0], s1  }
0x45: {  	s0 =	simm.s32 @!p0 $0x2  }
0x46: {  	_ =	swait.ge @!p0 [sflag:s0], s1  }
0x47: {  	s1 =	ssub.s32 @!p0 $0x0, s1;
	[sflag:s0] =	ssyncset.done @!p0 $0x0  }
0x48: {  	[sflag:s0] =	ssyncadd.s32 @!p0 s1  }
0x49: {  	[bflag:$0x3] =	sbarrier.arrive $0xFFFF  }
0x4a: {  	_ =	shalt  }

// kernel: kernel.8.cloned.1.call-start
scs
__scs_entry_jumppad:
0x0: {  	(pc) =	sbr.rel $0x88, $3  }
0x1: {  	(tag) =	ssettag $0x0;
	lr =	simm.s32 $0x1  }
0x2: {  	[smem:$0x3F8E] =	sst lr;
	_ =	strace $0xD0000000  }
0x3: {  	_ = 	snop  }
0x4: {  	_ = 	snop  }
0x5: {  	_ = 	snop  }
0x6: {  	_ = 	snop  }
0x7: {  	_ = 	snop  }
__scs_overlays_trampoline_lowered:
0x8: {  	[smem:$0x3F9D] =	sst s0  }
0x9: {  	[smem:$0x3F9E] =	sst s1  }
0xa: {  	[smem:$0x3F9F] =	sst s2  }
0xb: {  	[smem:$0x3FA0] =	sst s3  }
0xc: {  	[smem:$0x3FA1] =	sst s4  }
0xd: {  	[smem:$0x3FA2] =	sst s5  }
0xe: {  	[smem:$0x3FA3] =	sst s6  }
0xf: {  	[smem:$0x3FA4] =	sst s7  }
0x10: {  	[smem:$0x3FA5] =	sst s8  }
0x11: {  	[smem:$0x3FA6] =	sst s9;
	s0 =	simm.s32 @!p0 $0x0  }
0x12: {  	s1 =	sld [smem:$0x3F8C];
	s0 =	simm.s32 @p0 $0x1  }
0x13: {  	[smem:$0x3FA7] =	sst s0;
	s0 =	simm.s32 @!p1 $0x0  }
0x14: {  	s2 =	sld [smem:$0x3F8B];
	s0 =	simm.s32 @p1 $0x1  }
0x15: {  	[smem:$0x3FA8] =	sst s0;
	s0 =	simm.s32 @!p2 $0x0  }
0x16: {  	s3 =	sld [smem:$0x3FDB];
	s0 =	simm.s32 @p2 $0x1  }
0x17: {  	s4 =	simm.s32 $0x1BF5;
	[smem:$0x3FAA] =	sst s0  }
0x18: {  	s0 =	sld [smem:$0x3F8D];
	_ =	swait.ge [sflag:s4], $0x0  }
0x19: {  	s7 =	sld [smem:$0x3F8E]  }
0x1a: {  	s8 =	sadd.s32 $0xFFFFE003, lr  }
0x1b: {  	s9 =	sadd.s32 $0xFFFFFEF7, lr;
	s5 =	simm.s32 $0xFFFFFFFF;
	p2 =	slt.u32 s8, $0xFFFFF086  }
0x1c: {  	p1 =	slt.u32 s9, $0xF7A;
	s5 =	simm.s32 @!p2 $0x0  }
0x1d: {  	s5 =	simm.s32 @p1 $0x1;
	p0 =	seq.s32 s7, s2  }
0x1e: {  	s7 =	smul.u32 @!p0 $0xF7A, s2;
	p2 =	seq.s32 @!p0 s5, $0x0  }
0x1f: {  	s9 =	smul.u32 $0xF7A, s1;
	s8 =	simm.s32 @!p0 $0x1BF5;
	p2 =	por !p2, p0  }
0x20: {  	[sflag:s8] =	ssyncset.s32 @!p0 $0xFFFFF086;
	s6 =	sadd.s32 @!p0 s3, s7;
	s7 =	simm.s32 @!p0 $0x108  }
0x21: {  	s3 =	sadd.s32 s3, s9;
	s6 =	sadd.s32 @!p0 $0x88, s6;
	s7 =	simm.s32 @p2 $0x1082  }
0x22: {  	[simem:s7], [sflag:s8] =	dma.local @!p0 [hbm:s6], $0xF7A  }
0x23: {  	s9 =	sor.u32 $0xD0000000, s2;
	s6 =	simm.s32 $0x108;
	_ =	swait.ge @!p0 [sflag:s8], $0x0  }
0x24: {  	s3 =	sadd.s32 $0x88, s3;
	s6 =	simm.s32 @!p1 $0x1082;
	[sflag:s4] =	ssyncset.s32 $0xFFFFF086  }
0x25: {  	[simem:s6], [sflag:s4] =	dma.local [hbm:s3], $0xF7A  }
0x26: {  	[smem:$0x3F8E] =	sst s1;
	(tag) =	ssettag s2;
	_ =	strace s9  }
0x27: {  	s1 =	sld [smem:$0x3F9E]  }
0x28: {  	s2 =	sld [smem:$0x3F9F]  }
0x29: {  	s4 =	sld [smem:$0x3FA1]  }
0x2a: {  	p0 =	seq.s32 s5, $0x0;
	s5 =	sld [smem:$0x3FA2]  }
0x2b: {  	s6 =	sld [smem:$0x3FA3]  }
0x2c: {  	s7 =	sld [smem:$0x3FA4]  }
0x2d: {  	s3 =	simm.s32 $0x108;
	s8 =	sld [smem:$0x3FA5]  }
0x2e: {  	s3 =	simm.s32 @!p0 $0x1082;
	s9 =	sld [smem:$0x3FA6]  }
0x2f: {  	lr =	sadd.s32 s0, s3;
	s0 =	sld [smem:$0x3F9D]  }
0x30: {  	s3 =	sld [smem:$0x3FA0]  }
0x31: {  	[smem:$0x3FA9] =	sst s10  }
0x32: {  	s10 =	sld [smem:$0x3FA7];
	_ =	sdelay $0x3  }
0x33: {  	p0 =	seq.s32 s10, $0x1;
	s10 =	sld [smem:$0x3FA9];
	_ =	sdelay $0x3  }
0x34: {  	[smem:$0x3FA9] =	sst s10  }
0x35: {  	s10 =	sld [smem:$0x3FA8];
	_ =	sdelay $0x3  }
0x36: {  	p1 =	seq.s32 s10, $0x1;
	s10 =	sld [smem:$0x3FA9];
	_ =	sdelay $0x3  }
0x37: {  	[smem:$0x3FA9] =	sst s10  }
0x38: {  	s10 =	sld [smem:$0x3FAA]  }
0x39: {  	_ = 	snop;
	(pc) =	sbr.ind lr, $3  }
0x3a: {  	_ = 	snop  }
0x3b: {  	_ = 	snop  }
0x3c: {  	p2 =	seq.s32 s10, $0x1;
	s10 =	sld [smem:$0x3FA9]  }
0x3d: {  	_ =	shalt  }
0x3e: {  	_ =	shalt  }
0x3f: {  	_ =	shalt  }
0x40: {  	_ =	shalt  }
0x41: {  	_ =	shalt  }
0x42: {  	_ =	shalt  }
0x43: {  	_ =	shalt  }
0x44: {  	_ =	shalt  }
0x45: {  	_ =	shalt  }
0x46: {  	_ =	shalt  }
0x47: {  	_ =	shalt  }
0x48: {  	_ =	shalt  }
0x49: {  	_ =	shalt  }
0x4a: {  	_ =	shalt  }
0x4b: {  	_ =	shalt  }
0x4c: {  	_ =	shalt  }
0x4d: {  	_ =	shalt  }
0x4e: {  	_ =	shalt  }
0x4f: {  	_ =	shalt  }
0x50: {  	_ =	shalt  }
0x51: {  	_ =	shalt  }
0x52: {  	_ =	shalt  }
0x53: {  	_ =	shalt  }
0x54: {  	_ =	shalt  }
0x55: {  	_ =	shalt  }
0x56: {  	_ =	shalt  }
0x57: {  	_ =	shalt  }
0x58: {  	_ =	shalt  }
0x59: {  	_ =	shalt  }
0x5a: {  	_ =	shalt  }
0x5b: {  	_ =	shalt  }
0x5c: {  	_ =	shalt  }
0x5d: {  	_ =	shalt  }
0x5e: {  	_ =	shalt  }
0x5f: {  	_ =	shalt  }
0x60: {  	_ =	shalt  }
0x61: {  	_ =	shalt  }
0x62: {  	_ =	shalt  }
0x63: {  	_ =	shalt  }
0x64: {  	_ =	shalt  }
0x65: {  	_ =	shalt  }
0x66: {  	_ =	shalt  }
0x67: {  	_ =	shalt  }
0x68: {  	_ =	shalt  }
0x69: {  	_ =	shalt  }
0x6a: {  	_ =	shalt  }
0x6b: {  	_ =	shalt  }
0x6c: {  	_ =	shalt  }
0x6d: {  	_ =	shalt  }
0x6e: {  	_ =	shalt  }
0x6f: {  	_ =	shalt  }
0x70: {  	_ =	shalt  }
0x71: {  	_ =	shalt  }
0x72: {  	_ =	shalt  }
0x73: {  	_ =	shalt  }
0x74: {  	_ =	shalt  }
0x75: {  	_ =	shalt  }
0x76: {  	_ =	shalt  }
0x77: {  	_ =	shalt  }
0x78: {  	_ =	shalt  }
0x79: {  	_ =	shalt  }
0x7a: {  	_ =	shalt  }
0x7b: {  	_ =	shalt  }
0x7c: {  	_ =	shalt  }
0x7d: {  	_ =	shalt  }
0x7e: {  	_ =	shalt  }
0x7f: {  	_ =	shalt  }
0x80: {  	_ =	shalt  }
0x81: {  	_ =	shalt  }
0x82: {  	_ =	shalt  }
0x83: {  	_ =	shalt  }
0x84: {  	_ =	shalt  }
0x85: {  	_ =	shalt  }
0x86: {  	_ =	shalt  }
0x87: {  	_ =	shalt  }
.Lfunc_end0:
.L_simem_size_0:
called_computation_lowered:
.L_overlay_start_0:
0x88: {  	s2 =	sld [smem:$0x3FD9]  }
0x89: {  	s3 =	sld [smem:$0x3FFE];
	_ =	sdelay $0x1  }
0x8a: {  	s1 =	srdreg.scid  }
0x8b: {  	s0 =	sand.u32 $0x1, s1  }
0x8c: {  	s14 =	sshll.u32 s0, $0xA;
	s2 =	sadd.s32 s3, s2  }
0x8d: {  	s2 =	sadd.s32 s2, s14  }
0x8e: {  	[smem:$0x3FB5] =	sst s2  }
0x8f: {  	_ = 	snop  }
0x90: {  	s2 =	sld [smem:$0x3FD0];
	_ =	sdelay $0x2  }
0x91: {  	s15 =	simm.s32 $0xA;
	s4 =	simm.s32 $0x10  }
0x92: {  	[smem:s4], [sflag:s15] =	dma.local [hbm:s2], $0x1  }
0x93: {  	_ =	swait.eq [sflag:s15], $0x1  }
0x94: {  	[sflag:s15] =	ssyncset.done $0x0  }
0x95: {  	s16 =	sld [smem:$0x10];
	[sflag:s15] =	ssyncadd.s32 $0xFFFFFFFF  }
0x96: {  	s17 =	sld [smem:$0x11];
	(tm) =	ssettm $0x1  }
0x97: {  	s18 =	sld [smem:$0x3FFB];
	_ =	sdelay $0x3  }
0x98: {  	_ =	strace s18  }
0x99: {  	s4 =	sld [smem:$0x3FFC];
	_ =	sdelay $0x3  }
0x9a: {  	_ =	strace s4  }
0x9b: {  	s4 =	sld [smem:$0x3FFD];
	_ =	sdelay $0x3  }
0x9c: {  	_ =	strace s4  }
0x9d: {  	_ =	strace $0x8FFFFFFF  }
0x9e: {  	s19 =	sld [smem:$0x3FDB];
	_ =	sdelay $0x1  }
0x9f: {  	s5 =	simm.s32 $_scs_section_size  }
0xa0: {  	s6 =	simm.s32 $_size__tile_overlayer_lowered;
	s7 =	simm.s32 $_tile_overlayer_lowered  }
0xa1: {  	s22 =	simm.s32 $0x1BFF;
	s21 =	sshll.u32 s7, $0x1;
	s4 =	sadd.s32 s5, s19  }
0xa2: {  	s8 =	simm.s32 $0x0;
	s20 =	sshll.u32 s6, $0x1;
	s6 =	sadd.s32 s21, s4  }
0xa3: {  	[timem:s8], [sflag:s22] =	dma.local [hbm:s6], s20  }
0xa4: {  	_ =	swait.ge [sflag:s22], s20  }
0xa5: {  	s5 =	ssub.s32 $0x0, s20;
	[sflag:s22] =	ssyncset.done $0x0  }
0xa6: {  	[sflag:s22] =	ssyncadd.s32 s5;
	_ =	sdelay $0x1  }
0xa7: {  	s23 =	simm.s32 $0x1B8B  }
0xa8: {  	_ =	swait.ge [sflag:s23], $0x1  }
0xa9: {  	[sflag:s23] =	ssyncset.done $0x0  }
0xaa: {  	s25 =	simm.s32 $0x1B8E;
	s24 =	sld [smem:$0x3FFE];
	[sflag:s23] =	ssyncadd.s32 $0xFFFFFFFF  }
0xab: {  	s26 =	simm.s32 $execute0_lowered;
	[smem:$0x3FD2] =	sst s25  }
0xac: {  	s6 =	sshll.u32 s26, $0x1;
	_ =	strace $0x80000046;
	[dreg:$0x1] =	wrdreg $0xFFFFFFFF  }
0xad: {  	s28 =	simm.s32 $_size_execute0_lowered;
	s4 =	sadd.s32 s4, s6;
	[dreg:$0x0] =	wrdreg $0x0  }
0xae: {  	s6 =	sshll.u32 s28, $0x1;
	[dreg:$0x2] =	wrdreg s4  }
0xaf: {  	[dreg:$0x3] =	wrdreg s6  }
0xb0: {  	[dreg:$0x4] =	wrdreg $0xC0  }
0xb1: {  	_ =	task [dreg:s8], $0x5FFFF  }
0xb2: {  	[dreg:$0x1] =	wrdreg $0xFFFFFFFF  }
0xb3: {  	[dreg:$0x0] =	wrdreg $0x60  }
0xb4: {  	[dreg:$0x2] =	wrdreg s16  }
0xb5: {  	[dreg:$0x3] =	wrdreg s17  }
0xb6: {  	[dreg:$0x4] =	wrdreg s24  }
0xb7: {  	[dreg:$0x5] =	wrdreg $0x28800  }
0xb8: {  	[dreg:$0x6] =	wrdreg $0x9  }
0xb9: {  	_ =	task.clear_ibuf [dreg:s8], $0x7FFFF;
	_ =	strace $0x90000046  }
0xba: {  	s29 =	simm.s32 $0x9;
	_ =	strace $0x80000048  }
0xbb: {  	_ =	swait.ge [sflag:s29], $0x1  }
0xbc: {  	[sflag:s29] =	ssyncadd.s32 $0xFFFFFFFF  }
0xbd: {  	_ =	strace $0x90000048  }
0xbe: {  	_ =	sfence  }
0xbf: {  	s30 =	sld [smem:$0x0];
	_ =	sdelay $0x2  }
0xc0: {  	s31 =	sshll.u32 s1, $0xD;
	s1 =	sshrl.u32 s1, $0x2  }
0xc1: {  	s3 =	sand.u32 $0x4000, s31;
	s1 =	sadd.s32 s1, s30  }
0xc2: {  	s0 =	sor.u32 s3, s0;
	s1 =	sshll.u32 s1, $0x11  }
0xc3: {  	s0 =	sor.u32 s1, s0  }
0xc4: {  	s0 =	sadd.s32 $0x8F2B, s0  }
0xc5: {  	[sflag:s0] =	ssyncadd.remote.s32 $0x1  }
0xc6: {  	_ =	sfence.sel $0xFFFF  }
0xc7: {  	[dreg:$0x0] =	wrdreg $0xFFFFFFFF;
	(pc) =	sbr.abs _section_cstart, $3  }
0xc8: {  	[dreg:$0x1] =	wrdreg $0xFFFFFFFF  }
0xc9: {  	_ =	task.clear_ibuf [dreg:s8], $0x2FFFF;
	_ =	strace $0x9FFFFFFF  }
0xca: {  	(tm) =	ssettm $0x7FFFFFFF  }
0xcb: {  	_ =	shalt  }
tec
execute0_lowered:
.L_overlay_start_1:
0x0: {  	(tag) =	ssettag $0x1  }
0x1: {  	s6 =	rddreg [dreg:$0x0]  }
0x2: {  	s4 =	rddreg [dreg:$0x1]  }
0x3: {  	s5 =	rddreg [dreg:$0x2]  }
0x4: {  	s1 =	srdreg.scid;
	s0 =	stileid.u32  }
0x5: {  	s2 =	rddreg [dreg:$0x3];
	s3 =	simm.s32 $0x0;
	s12 =	simm.s32 $0x2800  }
0x6: {  	s13 =	simm.s32 $0x0;
	s7 =	sand.u32 $0x1, s1;
	s1 =	rddreg [dreg:$0x4]  }
0x7: {  	s8 =	smul.u32 $0x280, s0;
	[smem:$0x7FF] =	sst s3;
	s11 =	sshll.u32 s0, $0x1  }
0x8: {  	s31 =	sshll.u32 s0, $0x6;
	s9 =	smul.u32 $0x2800, s7;
	_ =	strace $0x80000047  }
0x9: {  	s10 =	ssub.s32 $0x2, s7;
	s7 =	sor.u32 s7, s11;
	s11 =	simm.s32 $0x80  }
0xa: {  	s28 =	sshrl.u32 s10, $0x1;
	s29 =	sshrl.u32 s8, $0x3;
	s7 =	smul.u32 $0x500, s7  }
0xb: {  	s30 =	sadd.s32 s8, s2;
	s9 =	sadd.s32 s8, s9;
	s10 =	ssub.s32 s10, s28  }
0xc: {  	s4 =	sadd.s32 s4, s29;
	s9 =	sshrl.u32 s9, $0x3;
	s6 =	sadd.s32 s6, s7  }
0xd: {  	s8 =	smax.u32 s10, $0x1;
	s10 =	simm.s32 $0x1;
	s9 =	sadd.s32 s9, s5  }
0xe: {  	v0 =	vimm.f32 $1.000000000e+00;
	s5 =	sor.u32 $0x1C01, s31;
	s7 =	sadd.s32 $0xEC00, s9;
	s9 =	sshrl.u32 s30, $0x3  }
.LBB2_1:
0xf: {  	[spmem:s9], [sflag:s5] =	dma.local [hbm:s4], $0x50  }
0x10: {  	_ =	swait.ge [sflag:s10], $0x50  }
0x11: {  	[sflag:s10] =	ssyncset.done $0x0  }
0x12: {  	[sflag:s10] =	ssyncadd.s32 $0xFFFFFFB0  }
0x13: {  	[tilespmem:$0x2800] =	vst v0  }
0x14: {  	[tilespmem:$0x2810] =	vst v0  }
0x15: {  	[tilespmem:$0x2820] =	vst v0  }
0x16: {  	[tilespmem:$0x2830] =	vst v0  }
0x17: {  	[tilespmem:$0x2840] =	vst v0  }
0x18: {  	[tilespmem:$0x2850] =	vst v0  }
0x19: {  	[tilespmem:$0x2860] =	vst v0  }
0x1a: {  	[tilespmem:$0x2870] =	vst v0  }
0x1b: {  	[tilespmem:s3], [sflag:$0x1] =	stream.linear.gather [hbm4b:s6+s3], $0x2800, $0x38;
	[tilespmem:$0x2B00] =	vst v63  }
0x1c: {  	_ =	swait.ge [sflag:s10], $0x2800  }
0x1d: {  	[sflag:s10] =	ssyncset.done $0x0  }
0x1e: {  	[sflag:s10] =	ssyncadd.s32 $0xFFFFD800  }
0x1f: {  	s14 =	simm.s32 $0x0;
	[bflag:$0x0] =	sbarrier.arrive $0xFFFF  }
0x20: {  	[spmem:s2] =	stream.indirect.scatter.add.f32 [tilespmem:s12], [sflag:$0x1], $0x1, s14, s11, $0xb8;
	[tilespmem:$0x2B00] =	vst v63  }
0x21: {  	_ =	swait.ge [sflag:s10], $0x80  }
0x22: {  	s14 =	simm.s32 $0x200;
	[sflag:s10] =	ssyncset.done $0x0  }
.LBB2_2:
0x23: {  	s15 =	sshra.s32 s14, $0x2;
	[sflag:s10] =	ssyncadd.s32 $0xFFFFFF80;
	p0 =	sne.s32 s14, $0x9E00  }
0x24: {  	[spmem:s2] =	stream.indirect.scatter.add.f32 [tilespmem:s12], [sflag:$0x1], $0x1, s15, s11, $0xb8;
	[tilespmem:$0x2B00] =	vst v63  }
.Ltmp0:
0x25: {  	_ = 	snop;
	(pc) =	sbr.rel @p0 .LBB2_2-.Ltmp0, $4  }
0x26: {  	_ = 	snop  }
0x27: {  	s14 =	sadd.s32 $0x200, s14  }
0x28: {  	_ =	swait.ge [sflag:s10], $0x80  }
0x29: {  	[sflag:s10] =	ssyncset.done $0x0  }
0x2a: {  	s13 =	sadd.s32 $0x1, s13  }
0x2b: {  	[sflag:s10] =	ssyncadd.s32 $0xFFFFFF80;
	p0 =	sne.s32 s13, s8  }
.Ltmp1:
0x2c: {  	[bflag:$0x0] =	sbarrier.arrive $0xFFFF;
	(pc) =	sbr.rel @p0 .LBB2_1-.Ltmp1, $4  }
0x2d: {  	[hbm:s7], [sflag:s5] =	dma.local [spmem:s9], $0x50  }
0x2e: {  	_ =	swait.ge [sflag:s10], $0x50  }
0x2f: {  	[sflag:s10] =	ssyncset.done $0x0  }
0x30: {  	[sflag:s10] =	ssyncadd.s32 $0xFFFFFFB0  }
0x31: {  	_ =	sfence.sel $0x180000  }
0x32: {  	[bflag:$0x0] =	sbarrier.arrive $0xFFFF  }
0x33: {  	p0 =	sne.s32 s0, $0x0;
	_ =	strace $0x90000047  }
0x34: {  	s0 =	sadd.s32 @!p0 $0x100000, s1;
	[bflag:$0x2] =	sbarrier.arrive $0xFFFF  }
0x35: {  	[sflag:s0] =	ssyncadd.tile.s32 @!p0 $0x1;
	_ =	shalt  }
.Lfunc_end2:
_tile_overlayer_lowered:
.L_overlay_start_2:
0x36: {  	(tag) =	ssettag $0x2  }
0x37: {  	s0 =	rddreg [dreg:$0x0];
	s2 =	stileid.u32  }
0x38: {  	s1 =	rddreg [dreg:$0x1];
	p0 =	sne.s32 s2, $0x0  }
0x39: {  	s3 =	rddreg [dreg:$0x2];
	[bflag:$0x3] =	sbarrier.arrive $0xFFFF;
	s2 =	simm.s32 @!p0 $0x1C01  }
0x3a: {  	[timem:s3], [sflag:s2] =	dma.local @!p0 [hbm:s0], s1  }
0x3b: {  	s0 =	simm.s32 @!p0 $0x1  }
0x3c: {  	_ =	swait.ge @!p0 [sflag:s0], s1  }
0x3d: {  	s1 =	ssub.s32 @!p0 $0x0, s1;
	[sflag:s0] =	ssyncset.done @!p0 $0x0  }
0x3e: {  	[sflag:s0] =	ssyncadd.s32 @!p0 s1  }
0x3f: {  	[bflag:$0x3] =	sbarrier.arrive $0xFFFF  }
0x40: {  	_ =	shalt  }

</sc_bundles>
